<compile_context>
chip_gen: v7x
topology: tpu7x:2x2x1
jax: 0.10.2.dev20260603
libtpu: 0.0.44.dev20260713+nightly
codegen_flags: <defaults>
</compile_context>

<pallas_src>
import functools
from itertools import combinations

import jax
import jax.numpy as jnp
import numpy as np
from jax import lax
from jax.experimental import pallas as pl
from jax.experimental.pallas import tpu as pltpu
from jax.experimental.pallas import tpu_sc as plsc

B = 4096
F = 26
V = 100000
D = 16
H = 128
NP = 325
FD = F * D

NC = 2
NS = 16
NW = NC * NS
BB = B // NW
CH = 2
FC = F // CH
FCD = FC * D

_PAIRS = np.array(list(combinations(range(F), 2)), dtype=np.int32)

VP = 100096
RB = FCD // 8
RPB = 8 * (VP // 128)
ROWS = RB * RPB


def _relayout_body(in_ref, out_ref):
    blk = in_ref[...]
    out_ref[...] = blk.reshape(8, VP // 128, 128).reshape(RPB, 128)


def _tc_relayout(tabT, c):
    return pl.pallas_call(
        _relayout_body,
        grid=(RB,),
        in_specs=[pl.BlockSpec((8, VP), lambda i: (c * RB + i, 0))],
        out_specs=pl.BlockSpec((RPB, 128), lambda i: (i, 0)),
        out_shape=jax.ShapeDtypeStruct((ROWS, 128), jnp.float32),
    )(tabT)


def _sc_gather(tab_hbm, xi_hbm, out_hbm, idx_v, rows_v, sem):
    wid = lax.axis_index("s") * NC + lax.axis_index("c")
    b0 = wid * BB
    pltpu.sync_copy(xi_hbm.at[wid], idx_v)

    def fire(f, c):
        for d in range(D):
            r = f * D + d
            base = (r // 8) * (RPB * 128) + (r % 8) * VP
            pltpu.async_copy(
                tab_hbm.at[pl.ds(base, VP)].at[idx_v.at[f]],
                rows_v.at[r],
                sem,
            )
        return c

    lax.fori_loop(0, FC, fire, 0)

    def drain(f, c):
        for d in range(D):
            r = f * D + d
            base = (r // 8) * (RPB * 128) + (r % 8) * VP
            pltpu.make_async_copy(
                tab_hbm.at[pl.ds(base, VP)].at[idx_v.at[f]],
                rows_v.at[r],
                sem,
            ).wait()
        return c

    lax.fori_loop(0, FC, drain, 0)
    pltpu.sync_copy(rows_v, out_hbm.at[:, pl.ds(b0, BB)])


@functools.partial(jax.jit, static_argnames=())
def _gather_planes(tabT, xi_r):
    mesh = plsc.VectorSubcoreMesh(
        core_axis_name="c", subcore_axis_name="s", num_cores=NC, num_subcores=NS
    )
    return pl.kernel(
        _sc_gather,
        out_type=jax.ShapeDtypeStruct((FCD, B), jnp.float32),
        mesh=mesh,
        compiler_params=pltpu.CompilerParams(use_tc_tiling_on_sc=False),
        scratch_types=[
            pltpu.VMEM((FC, BB), jnp.int32),
            pltpu.VMEM((FCD, BB), jnp.float32),
            pltpu.SemaphoreType.DMA,
        ],
    )(tabT, xi_r)


def _tc_body(eT0_ref, eT1_ref, xvT_ref, k_ref, w1_ref, b1_ref, w2h_ref,
             b2_ref, out_ref):
    xvT = xvT_ref[...]
    xvrT = jnp.reshape(
        jnp.broadcast_to(xvT[:, None, :], (F, D, xvT.shape[1])),
        (FD, xvT.shape[1]))
    eT = jnp.concatenate([eT0_ref[...], eT1_ref[...]], axis=0)
    e = eT * xvrT
    y = jnp.dot(k_ref[...], e, preferred_element_type=jnp.float32)
    quad = 0.5 * jnp.sum(e * y, axis=0)
    hT = jnp.maximum(
        lax.dot_general(w1_ref[...], xvT, (((0,), (0,)), ((), ())),
                        preferred_element_type=jnp.float32)
        + b1_ref[...], 0.0)
    dense = jnp.sum(hT * w2h_ref[...], axis=0)
    out_ref[...] = (quad + dense + b2_ref[0, 0])[None, :]


def _tc_combine(eT0, eT1, xvT, K, W1, b1c, w2hc, b2r):
    bn = 512
    grid = B // bn
    return pl.pallas_call(
        _tc_body,
        grid=(grid,),
        in_specs=[
            pl.BlockSpec((FCD, bn), lambda i: (0, i)),
            pl.BlockSpec((FCD, bn), lambda i: (0, i)),
            pl.BlockSpec((F, bn), lambda i: (0, i)),
            pl.BlockSpec((FD, FD), lambda i: (0, 0)),
            pl.BlockSpec((F, H), lambda i: (0, 0)),
            pl.BlockSpec((H, 1), lambda i: (0, 0)),
            pl.BlockSpec((H, 1), lambda i: (0, 0)),
            pl.BlockSpec((1, 1), lambda i: (0, 0)),
        ],
        out_specs=pl.BlockSpec((1, bn), lambda i: (0, i)),
        out_shape=jax.ShapeDtypeStruct((1, B), jnp.float32),
    )(eT0, eT1, xvT, K, W1, b1c, w2hc, b2r)


def kernel(xv, xi, tables, W1, b1, W2, b2):
    xi32 = xi.astype(jnp.int32)
    tabT = jnp.transpose(tables, (0, 2, 1)).reshape(FD, V)
    xi_r = jnp.transpose(xi32).reshape(F, NW, BB).transpose(1, 0, 2)

    tab1d0 = _tc_relayout(tabT, 0).reshape(ROWS * 128)
    eT0 = _gather_planes(tab1d0, xi_r[:, :FC])
    tab1d1 = _tc_relayout(tabT, 1).reshape(ROWS * 128)
    eT1 = _gather_planes(tab1d1, xi_r[:, FC:])

    pi = jnp.asarray(_PAIRS[:, 0])
    pj = jnp.asarray(_PAIRS[:, 1])
    w_q = W2[:NP, 0]
    A = jnp.zeros((F, F), jnp.float32).at[pi, pj].set(w_q)
    A = A + A.T
    K = jnp.einsum("fg,de->fdge", A, jnp.eye(D, dtype=jnp.float32))
    K = K.reshape(FD, FD)

    xvT = jnp.transpose(xv)
    b1c = b1.reshape(H, 1)
    w2hc = W2[NP:, 0].reshape(H, 1)
    b2r = b2.reshape(1, 1)

    outT = _tc_combine(eT0, eT1, xvT, K, W1, b1c, w2hc, b2r)
    return jnp.transpose(outT)

# --- scband reference (transcript-rebuilt; emitter-appended) ---
"""Pipeline reference for scband-deep-qi-24257975288291 (READ-ONLY COPY).

The authoritative reference and input builder live on the scoring server;
editing this copy changes nothing except your own understanding.
"""

import jax, jax.numpy as jnp
import numpy as np
from itertools import combinations

B = 4096
F = 26
V = 100000
D = 16
H = 128
OUT = 1
PAIRS = np.array(list(combinations(range(F), 2)), dtype=np.int64)  # [325, 2], same order as torch
NP = PAIRS.shape[0]


def setup_inputs(seed: int = 0) -> dict:
    key = jax.random.key(seed)
    ks = jax.random.split(key, 8)
    xv = jax.random.normal(ks[0], (B, F), dtype=jnp.float32)
    xi = jax.random.randint(ks[1], (B, F), 0, V, dtype=jnp.int64)
    tables = jax.random.normal(ks[2], (F, V, D), dtype=jnp.float32) * 0.01
    W1 = jax.random.normal(ks[3], (F, H), dtype=jnp.float32) * 0.05
    b1 = jnp.zeros((H,), dtype=jnp.float32)
    W2 = jax.random.normal(ks[4], (H + NP, OUT), dtype=jnp.float32) * 0.05
    b2 = jnp.zeros((OUT,), dtype=jnp.float32)
    return {"xv": xv, "xi": xi, "tables": tables, "W1": W1, "b1": b1, "W2": W2, "b2": b2}


def reference(xv, xi, tables, W1, b1, W2, b2):
    # per-field embedding lookup, weighted by dense value xv (torch: emb(xi[:,i]) * xv[:,i].unsqueeze(1))
    field_idx = jnp.arange(F)[None, :]            # [1, F]
    e = tables[field_idx, xi]                      # gather -> [B, F, D]
    e = e * xv[:, :, None]                         # [B, F, D]
    # pairwise quadratic interactions, same combination order as torch
    pi = jnp.asarray(PAIRS[:, 0])
    pj = jnp.asarray(PAIRS[:, 1])
    qi = jnp.sum(e[:, pi, :] * e[:, pj, :], axis=-1)  # [B, 325]
    # MLP on dense features (dropout is identity in eval mode)
    h = jax.nn.relu(xv @ W1 + b1)                  # [B, H]
    z = jnp.concatenate([qi, h], axis=1)           # [B, 325 + H]
    out = z @ W2 + b2                              # [B, 1]
    return out

if __name__ == "__main__":
    import jax
    _d = setup_inputs()
    print(jax.jit(kernel)(*tuple(_d.values())))

</pallas_src>

<mosaic_0001>
#map = affine_map<(d0, d1) -> (0)>
#map1 = affine_map<(d0, d1) -> (0, 0, 0)>
#map2 = affine_map<(d0, d1) -> (0, 0)>
module attributes {stable_mosaic.version = 14 : i64} {
  func.func @_sc_gather(%arg0: i32, %arg1: i32, %arg2: memref<20819968xf32, #tpu.memory_space<hbm>>, %arg3: memref<32x13x128xi32, #tpu.memory_space<hbm>>, %arg4: memref<208x4096xf32, #tpu.memory_space<hbm>>, %arg5: memref<13x128xi32, #tpu.memory_space<vmem>>, %arg6: memref<208x128xf32, #tpu.memory_space<vmem>>, %arg7: memref<!tpu.dma_semaphore, #tpu.memory_space<semaphore_mem>>) attributes {dimension_semantics = [#tpu.dimension_semantics<core_parallel>, #tpu.dimension_semantics<subcore_parallel>], iteration_bounds = array<i64: 2, 16>, scalar_prefetch = 0 : i64, scratch_operands = 3 : i64, tpu.core_type = #tpu.core_type<sc_vector_subcore>, window_params = [{transform_indices = #map}, {transform_indices = #map1}, {transform_indices = #map2}]} {
    %mul3A = arith.constant 2 : i32
    %mul3A_0 = arith.muli %arg1, %mul3A : i32
    %add3A = arith.addi %mul3A_0, %arg0 : i32
    %mul3A_1 = arith.constant 128 : i32
    %mul3A_2 = arith.muli %add3A, %mul3A_1 : i32
    "tpu.region"() ({
      %run_scoped3A = tpu.sem_alloc : memref<!tpu.dma_semaphore, #tpu.memory_space<semaphore_mem>>
      %dma_start3A = arith.constant 0 : i32
      %dma_start3A_14 = arith.constant 0 : i32
      %dma_start3A_15 = tpu.memref_slice %arg3[%add3A, %dma_start3A, %dma_start3A_14] : memref<32x13x128xi32, #tpu.memory_space<hbm>> -> memref<1x13x128xi32, #tpu.memory_space<hbm>>
      %dma_start3A_16 = tpu.memref_squeeze %dma_start3A_15 : memref<1x13x128xi32, #tpu.memory_space<hbm>> -> memref<13x128xi32, #tpu.memory_space<hbm>>
      %dma_start3A_17 = arith.constant 0 : i32
      %dma_start3A_18 = arith.constant 0 : i32
      %dma_start3A_19 = tpu.memref_slice %arg3[%add3A, %dma_start3A_17, %dma_start3A_18] : memref<32x13x128xi32, #tpu.memory_space<hbm>> -> memref<1x13x128xi32, #tpu.memory_space<hbm>>
      %dma_start3A_20 = tpu.memref_squeeze %dma_start3A_19 : memref<1x13x128xi32, #tpu.memory_space<hbm>> -> memref<13x128xi32, #tpu.memory_space<hbm>>
      tpu.enqueue_dma source(%dma_start3A_20 : memref<13x128xi32, #tpu.memory_space<hbm>>) target(%arg5 : memref<13x128xi32, #tpu.memory_space<vmem>>) target_semaphore(%run_scoped3A : memref<!tpu.dma_semaphore, #tpu.memory_space<semaphore_mem>>)
      %dma_wait3A = arith.constant 0 : i32
      %dma_wait3A_21 = arith.constant 0 : i32
      %dma_wait3A_22 = tpu.memref_slice %arg3[%add3A, %dma_wait3A, %dma_wait3A_21] : memref<32x13x128xi32, #tpu.memory_space<hbm>> -> memref<1x13x128xi32, #tpu.memory_space<hbm>>
      %dma_wait3A_23 = tpu.memref_squeeze %dma_wait3A_22 : memref<1x13x128xi32, #tpu.memory_space<hbm>> -> memref<13x128xi32, #tpu.memory_space<hbm>>
      %dma_wait3A_24 = arith.constant 0 : i32
      %dma_wait3A_25 = arith.constant 0 : i32
      %dma_wait3A_26 = tpu.memref_slice %arg3[%add3A, %dma_wait3A_24, %dma_wait3A_25] : memref<32x13x128xi32, #tpu.memory_space<hbm>> -> memref<1x13x128xi32, #tpu.memory_space<hbm>>
      %dma_wait3A_27 = tpu.memref_squeeze %dma_wait3A_26 : memref<1x13x128xi32, #tpu.memory_space<hbm>> -> memref<13x128xi32, #tpu.memory_space<hbm>>
      tpu.wait_dma2 semaphore(%run_scoped3A : memref<!tpu.dma_semaphore, #tpu.memory_space<semaphore_mem>>) src(%dma_wait3A_27 : memref<13x128xi32, #tpu.memory_space<hbm>>) dst(%arg5 : memref<13x128xi32, #tpu.memory_space<vmem>>)
      tpu.yield
    }) : () -> ()
    %scan3A = arith.constant 0 : i32
    %scan3A_3 = arith.constant 0 : i32
    %scan3A_4 = arith.constant 13 : i32
    %scan3A_5 = arith.addi %scan3A_3, %scan3A_4 : i32
    %scan3A_6 = arith.constant 1 : i32
    scf.for %scan3A_14 = %scan3A_3 to %scan3A_5 step %scan3A_6  : i32 {
      %mul3A_15 = arith.constant 16 : i32
      %mul3A_16 = arith.muli %scan3A_14, %mul3A_15 : i32
      %add3A_17 = arith.constant 0 : i32
      %add3A_18 = arith.addi %mul3A_16, %add3A_17 : i32
      %jit3A = arith.constant 8 : i32
      %div3A = arith.divsi %add3A_18, %jit3A : i32
      %sign3A = arith.constant 0 : i32
      %sign3A_19 = arith.cmpi sgt, %add3A_18, %sign3A : i32
      %sign3A_20 = arith.extui %sign3A_19 : i1 to i32
      %sign3A_21 = arith.constant 0 : i32
      %sign3A_22 = arith.cmpi slt, %add3A_18, %sign3A_21 : i32
      %sign3A_23 = arith.extui %sign3A_22 : i1 to i32
      %sign3A_24 = arith.subi %sign3A_20, %sign3A_23 : i32
      %sign3A_25 = arith.constant 0 : i32
      %sign3A_26 = arith.cmpi sgt, %jit3A, %sign3A_25 : i32
      %sign3A_27 = arith.extui %sign3A_26 : i1 to i32
      %sign3A_28 = arith.constant 0 : i32
      %sign3A_29 = arith.cmpi slt, %jit3A, %sign3A_28 : i32
      %sign3A_30 = arith.extui %sign3A_29 : i1 to i32
      %sign3A_31 = arith.subi %sign3A_27, %sign3A_30 : i32
      %ne3A = arith.cmpi ne, %sign3A_24, %sign3A_31 : i32
      %rem3A = arith.remsi %add3A_18, %jit3A : i32
      %ne3A_32 = arith.constant 0 : i32
      %ne3A_33 = arith.cmpi ne, %rem3A, %ne3A_32 : i32
      %and3A = arith.andi %ne3A, %ne3A_33 : i1
      %sub3A = arith.constant 1 : i32
      %sub3A_34 = arith.subi %div3A, %sub3A : i32
      %select_n3A = arith.select %and3A, %sub3A_34, %div3A : i32
      %mul3A_35 = arith.constant 800768 : i32
      %mul3A_36 = arith.muli %select_n3A, %mul3A_35 : i32
      %jit3A_37 = arith.constant 8 : i32
      %eq3A = arith.constant 0 : i32
      %eq3A_38 = arith.cmpi eq, %jit3A_37, %eq3A : i32
      %jit3A_39 = arith.constant 1 : i32
      %select_n3A_40 = arith.select %eq3A_38, %jit3A_39, %jit3A_37 : i32
      %rem3A_41 = arith.remsi %add3A_18, %select_n3A_40 : i32
      %ne3A_42 = arith.constant 0 : i32
      %ne3A_43 = arith.cmpi ne, %rem3A_41, %ne3A_42 : i32
      %lt3A = arith.constant 0 : i32
      %lt3A_44 = arith.cmpi slt, %rem3A_41, %lt3A : i32
      %lt3A_45 = arith.constant 0 : i32
      %lt3A_46 = arith.cmpi slt, %select_n3A_40, %lt3A_45 : i32
      %ne3A_47 = arith.xori %lt3A_44, %lt3A_46 : i1
      %and3A_48 = arith.andi %ne3A_47, %ne3A_43 : i1
      %add3A_49 = arith.addi %rem3A_41, %select_n3A_40 : i32
      %select_n3A_50 = arith.select %and3A_48, %add3A_49, %rem3A_41 : i32
      %mul3A_51 = arith.constant 100096 : i32
      %mul3A_52 = arith.muli %select_n3A_50, %mul3A_51 : i32
      %add3A_53 = arith.addi %mul3A_36, %mul3A_52 : i32
      %dma_start3A = arith.constant 0 : i32
      %dma_start3A_54 = tpu.memref_slice %arg6[%add3A_18, %dma_start3A] : memref<208x128xf32, #tpu.memory_space<vmem>> -> memref<1x128xf32, #tpu.memory_space<vmem>>
      %dma_start3A_55 = tpu.memref_squeeze %dma_start3A_54 : memref<1x128xf32, #tpu.memory_space<vmem>> -> memref<128xf32, #tpu.memory_space<vmem>>
      %dma_start3A_56 = arith.constant 0 : i32
      %dma_start3A_57 = tpu.memref_slice %arg5[%scan3A_14, %dma_start3A_56] : memref<13x128xi32, #tpu.memory_space<vmem>> -> memref<1x128xi32, #tpu.memory_space<vmem>>
      %dma_start3A_58 = tpu.memref_squeeze %dma_start3A_57 : memref<1x128xi32, #tpu.memory_space<vmem>> -> memref<128xi32, #tpu.memory_space<vmem>>
      %dma_start3A_59 = tpu.memref_slice %arg2[%add3A_53] : memref<20819968xf32, #tpu.memory_space<hbm>> -> memref<100096xf32, #tpu.memory_space<hbm>>
      %dma_start3A_60 = arith.constant 0 : i32
      %dma_start3A_61 = tpu.memref_slice %dma_start3A_59[%dma_start3A_60] : memref<100096xf32, #tpu.memory_space<hbm>> -> memref<100096xf32, #tpu.memory_space<hbm>>
      tpu.enqueue_indirect_dma source(%dma_start3A_61 : memref<100096xf32, #tpu.memory_space<hbm>>) target(%dma_start3A_55 : memref<128xf32, #tpu.memory_space<vmem>>) offsets(%dma_start3A_58 : memref<128xi32, #tpu.memory_space<vmem>>) semaphore(%arg7 : memref<!tpu.dma_semaphore, #tpu.memory_space<semaphore_mem>>)
      %mul3A_62 = arith.constant 16 : i32
      %mul3A_63 = arith.muli %scan3A_14, %mul3A_62 : i32
      %add3A_64 = arith.constant 1 : i32
      %add3A_65 = arith.addi %mul3A_63, %add3A_64 : i32
      %jit3A_66 = arith.constant 8 : i32
      %div3A_67 = arith.divsi %add3A_65, %jit3A_66 : i32
      %sign3A_68 = arith.constant 0 : i32
      %sign3A_69 = arith.cmpi sgt, %add3A_65, %sign3A_68 : i32
      %sign3A_70 = arith.extui %sign3A_69 : i1 to i32
      %sign3A_71 = arith.constant 0 : i32
      %sign3A_72 = arith.cmpi slt, %add3A_65, %sign3A_71 : i32
      %sign3A_73 = arith.extui %sign3A_72 : i1 to i32
      %sign3A_74 = arith.subi %sign3A_70, %sign3A_73 : i32
      %sign3A_75 = arith.constant 0 : i32
      %sign3A_76 = arith.cmpi sgt, %jit3A_66, %sign3A_75 : i32
      %sign3A_77 = arith.extui %sign3A_76 : i1 to i32
      %sign3A_78 = arith.constant 0 : i32
      %sign3A_79 = arith.cmpi slt, %jit3A_66, %sign3A_78 : i32
      %sign3A_80 = arith.extui %sign3A_79 : i1 to i32
      %sign3A_81 = arith.subi %sign3A_77, %sign3A_80 : i32
      %ne3A_82 = arith.cmpi ne, %sign3A_74, %sign3A_81 : i32
      %rem3A_83 = arith.remsi %add3A_65, %jit3A_66 : i32
      %ne3A_84 = arith.constant 0 : i32
      %ne3A_85 = arith.cmpi ne, %rem3A_83, %ne3A_84 : i32
      %and3A_86 = arith.andi %ne3A_82, %ne3A_85 : i1
      %sub3A_87 = arith.constant 1 : i32
      %sub3A_88 = arith.subi %div3A_67, %sub3A_87 : i32
      %select_n3A_89 = arith.select %and3A_86, %sub3A_88, %div3A_67 : i32
      %mul3A_90 = arith.constant 800768 : i32
      %mul3A_91 = arith.muli %select_n3A_89, %mul3A_90 : i32
      %jit3A_92 = arith.constant 8 : i32
      %eq3A_93 = arith.constant 0 : i32
      %eq3A_94 = arith.cmpi eq, %jit3A_92, %eq3A_93 : i32
      %jit3A_95 = arith.constant 1 : i32
      %select_n3A_96 = arith.select %eq3A_94, %jit3A_95, %jit3A_92 : i32
      %rem3A_97 = arith.remsi %add3A_65, %select_n3A_96 : i32
      %ne3A_98 = arith.constant 0 : i32
      %ne3A_99 = arith.cmpi ne, %rem3A_97, %ne3A_98 : i32
      %lt3A_100 = arith.constant 0 : i32
      %lt3A_101 = arith.cmpi slt, %rem3A_97, %lt3A_100 : i32
      %lt3A_102 = arith.constant 0 : i32
      %lt3A_103 = arith.cmpi slt, %select_n3A_96, %lt3A_102 : i32
      %ne3A_104 = arith.xori %lt3A_101, %lt3A_103 : i1
      %and3A_105 = arith.andi %ne3A_104, %ne3A_99 : i1
      %add3A_106 = arith.addi %rem3A_97, %select_n3A_96 : i32
      %select_n3A_107 = arith.select %and3A_105, %add3A_106, %rem3A_97 : i32
      %mul3A_108 = arith.constant 100096 : i32
      %mul3A_109 = arith.muli %select_n3A_107, %mul3A_108 : i32
      %add3A_110 = arith.addi %mul3A_91, %mul3A_109 : i32
      %dma_start3A_111 = arith.constant 0 : i32
      %dma_start3A_112 = tpu.memref_slice %arg6[%add3A_65, %dma_start3A_111] : memref<208x128xf32, #tpu.memory_space<vmem>> -> memref<1x128xf32, #tpu.memory_space<vmem>>
      %dma_start3A_113 = tpu.memref_squeeze %dma_start3A_112 : memref<1x128xf32, #tpu.memory_space<vmem>> -> memref<128xf32, #tpu.memory_space<vmem>>
      %dma_start3A_114 = arith.constant 0 : i32
      %dma_start3A_115 = tpu.memref_slice %arg5[%scan3A_14, %dma_start3A_114] : memref<13x128xi32, #tpu.memory_space<vmem>> -> memref<1x128xi32, #tpu.memory_space<vmem>>
      %dma_start3A_116 = tpu.memref_squeeze %dma_start3A_115 : memref<1x128xi32, #tpu.memory_space<vmem>> -> memref<128xi32, #tpu.memory_space<vmem>>
      %dma_start3A_117 = tpu.memref_slice %arg2[%add3A_110] : memref<20819968xf32, #tpu.memory_space<hbm>> -> memref<100096xf32, #tpu.memory_space<hbm>>
      %dma_start3A_118 = arith.constant 0 : i32
      %dma_start3A_119 = tpu.memref_slice %dma_start3A_117[%dma_start3A_118] : memref<100096xf32, #tpu.memory_space<hbm>> -> memref<100096xf32, #tpu.memory_space<hbm>>
      tpu.enqueue_indirect_dma source(%dma_start3A_119 : memref<100096xf32, #tpu.memory_space<hbm>>) target(%dma_start3A_113 : memref<128xf32, #tpu.memory_space<vmem>>) offsets(%dma_start3A_116 : memref<128xi32, #tpu.memory_space<vmem>>) semaphore(%arg7 : memref<!tpu.dma_semaphore, #tpu.memory_space<semaphore_mem>>)
      %mul3A_120 = arith.constant 16 : i32
      %mul3A_121 = arith.muli %scan3A_14, %mul3A_120 : i32
      %add3A_122 = arith.constant 2 : i32
      %add3A_123 = arith.addi %mul3A_121, %add3A_122 : i32
      %jit3A_124 = arith.constant 8 : i32
      %div3A_125 = arith.divsi %add3A_123, %jit3A_124 : i32
      %sign3A_126 = arith.constant 0 : i32
      %sign3A_127 = arith.cmpi sgt, %add3A_123, %sign3A_126 : i32
      %sign3A_128 = arith.extui %sign3A_127 : i1 to i32
      %sign3A_129 = arith.constant 0 : i32
      %sign3A_130 = arith.cmpi slt, %add3A_123, %sign3A_129 : i32
      %sign3A_131 = arith.extui %sign3A_130 : i1 to i32
      %sign3A_132 = arith.subi %sign3A_128, %sign3A_131 : i32
      %sign3A_133 = arith.constant 0 : i32
      %sign3A_134 = arith.cmpi sgt, %jit3A_124, %sign3A_133 : i32
      %sign3A_135 = arith.extui %sign3A_134 : i1 to i32
      %sign3A_136 = arith.constant 0 : i32
      %sign3A_137 = arith.cmpi slt, %jit3A_124, %sign3A_136 : i32
      %sign3A_138 = arith.extui %sign3A_137 : i1 to i32
      %sign3A_139 = arith.subi %sign3A_135, %sign3A_138 : i32
      %ne3A_140 = arith.cmpi ne, %sign3A_132, %sign3A_139 : i32
      %rem3A_141 = arith.remsi %add3A_123, %jit3A_124 : i32
      %ne3A_142 = arith.constant 0 : i32
      %ne3A_143 = arith.cmpi ne, %rem3A_141, %ne3A_142 : i32
      %and3A_144 = arith.andi %ne3A_140, %ne3A_143 : i1
      %sub3A_145 = arith.constant 1 : i32
      %sub3A_146 = arith.subi %div3A_125, %sub3A_145 : i32
      %select_n3A_147 = arith.select %and3A_144, %sub3A_146, %div3A_125 : i32
      %mul3A_148 = arith.constant 800768 : i32
      %mul3A_149 = arith.muli %select_n3A_147, %mul3A_148 : i32
      %jit3A_150 = arith.constant 8 : i32
      %eq3A_151 = arith.constant 0 : i32
      %eq3A_152 = arith.cmpi eq, %jit3A_150, %eq3A_151 : i32
      %jit3A_153 = arith.constant 1 : i32
      %select_n3A_154 = arith.select %eq3A_152, %jit3A_153, %jit3A_150 : i32
      %rem3A_155 = arith.remsi %add3A_123, %select_n3A_154 : i32
      %ne3A_156 = arith.constant 0 : i32
      %ne3A_157 = arith.cmpi ne, %rem3A_155, %ne3A_156 : i32
      %lt3A_158 = arith.constant 0 : i32
      %lt3A_159 = arith.cmpi slt, %rem3A_155, %lt3A_158 : i32
      %lt3A_160 = arith.constant 0 : i32
      %lt3A_161 = arith.cmpi slt, %select_n3A_154, %lt3A_160 : i32
      %ne3A_162 = arith.xori %lt3A_159, %lt3A_161 : i1
      %and3A_163 = arith.andi %ne3A_162, %ne3A_157 : i1
      %add3A_164 = arith.addi %rem3A_155, %select_n3A_154 : i32
      %select_n3A_165 = arith.select %and3A_163, %add3A_164, %rem3A_155 : i32
      %mul3A_166 = arith.constant 100096 : i32
      %mul3A_167 = arith.muli %select_n3A_165, %mul3A_166 : i32
      %add3A_168 = arith.addi %mul3A_149, %mul3A_167 : i32
      %dma_start3A_169 = arith.constant 0 : i32
      %dma_start3A_170 = tpu.memref_slice %arg6[%add3A_123, %dma_start3A_169] : memref<208x128xf32, #tpu.memory_space<vmem>> -> memref<1x128xf32, #tpu.memory_space<vmem>>
      %dma_start3A_171 = tpu.memref_squeeze %dma_start3A_170 : memref<1x128xf32, #tpu.memory_space<vmem>> -> memref<128xf32, #tpu.memory_space<vmem>>
      %dma_start3A_172 = arith.constant 0 : i32
      %dma_start3A_173 = tpu.memref_slice %arg5[%scan3A_14, %dma_start3A_172] : memref<13x128xi32, #tpu.memory_space<vmem>> -> memref<1x128xi32, #tpu.memory_space<vmem>>
      %dma_start3A_174 = tpu.memref_squeeze %dma_start3A_173 : memref<1x128xi32, #tpu.memory_space<vmem>> -> memref<128xi32, #tpu.memory_space<vmem>>
      %dma_start3A_175 = tpu.memref_slice %arg2[%add3A_168] : memref<20819968xf32, #tpu.memory_space<hbm>> -> memref<100096xf32, #tpu.memory_space<hbm>>
      %dma_start3A_176 = arith.constant 0 : i32
      %dma_start3A_177 = tpu.memref_slice %dma_start3A_175[%dma_start3A_176] : memref<100096xf32, #tpu.memory_space<hbm>> -> memref<100096xf32, #tpu.memory_space<hbm>>
      tpu.enqueue_indirect_dma source(%dma_start3A_177 : memref<100096xf32, #tpu.memory_space<hbm>>) target(%dma_start3A_171 : memref<128xf32, #tpu.memory_space<vmem>>) offsets(%dma_start3A_174 : memref<128xi32, #tpu.memory_space<vmem>>) semaphore(%arg7 : memref<!tpu.dma_semaphore, #tpu.memory_space<semaphore_mem>>)
      %mul3A_178 = arith.constant 16 : i32
      %mul3A_179 = arith.muli %scan3A_14, %mul3A_178 : i32
      %add3A_180 = arith.constant 3 : i32
      %add3A_181 = arith.addi %mul3A_179, %add3A_180 : i32
      %jit3A_182 = arith.constant 8 : i32
      %div3A_183 = arith.divsi %add3A_181, %jit3A_182 : i32
      %sign3A_184 = arith.constant 0 : i32
      %sign3A_185 = arith.cmpi sgt, %add3A_181, %sign3A_184 : i32
      %sign3A_186 = arith.extui %sign3A_185 : i1 to i32
      %sign3A_187 = arith.constant 0 : i32
      %sign3A_188 = arith.cmpi slt, %add3A_181, %sign3A_187 : i32
      %sign3A_189 = arith.extui %sign3A_188 : i1 to i32
      %sign3A_190 = arith.subi %sign3A_186, %sign3A_189 : i32
      %sign3A_191 = arith.constant 0 : i32
      %sign3A_192 = arith.cmpi sgt, %jit3A_182, %sign3A_191 : i32
      %sign3A_193 = arith.extui %sign3A_192 : i1 to i32
      %sign3A_194 = arith.constant 0 : i32
      %sign3A_195 = arith.cmpi slt, %jit3A_182, %sign3A_194 : i32
      %sign3A_196 = arith.extui %sign3A_195 : i1 to i32
      %sign3A_197 = arith.subi %sign3A_193, %sign3A_196 : i32
      %ne3A_198 = arith.cmpi ne, %sign3A_190, %sign3A_197 : i32
      %rem3A_199 = arith.remsi %add3A_181, %jit3A_182 : i32
      %ne3A_200 = arith.constant 0 : i32
      %ne3A_201 = arith.cmpi ne, %rem3A_199, %ne3A_200 : i32
      %and3A_202 = arith.andi %ne3A_198, %ne3A_201 : i1
      %sub3A_203 = arith.constant 1 : i32
      %sub3A_204 = arith.subi %div3A_183, %sub3A_203 : i32
      %select_n3A_205 = arith.select %and3A_202, %sub3A_204, %div3A_183 : i32
      %mul3A_206 = arith.constant 800768 : i32
      %mul3A_207 = arith.muli %select_n3A_205, %mul3A_206 : i32
      %jit3A_208 = arith.constant 8 : i32
      %eq3A_209 = arith.constant 0 : i32
      %eq3A_210 = arith.cmpi eq, %jit3A_208, %eq3A_209 : i32
      %jit3A_211 = arith.constant 1 : i32
      %select_n3A_212 = arith.select %eq3A_210, %jit3A_211, %jit3A_208 : i32
      %rem3A_213 = arith.remsi %add3A_181, %select_n3A_212 : i32
      %ne3A_214 = arith.constant 0 : i32
      %ne3A_215 = arith.cmpi ne, %rem3A_213, %ne3A_214 : i32
      %lt3A_216 = arith.constant 0 : i32
      %lt3A_217 = arith.cmpi slt, %rem3A_213, %lt3A_216 : i32
      %lt3A_218 = arith.constant 0 : i32
      %lt3A_219 = arith.cmpi slt, %select_n3A_212, %lt3A_218 : i32
      %ne3A_220 = arith.xori %lt3A_217, %lt3A_219 : i1
      %and3A_221 = arith.andi %ne3A_220, %ne3A_215 : i1
      %add3A_222 = arith.addi %rem3A_213, %select_n3A_212 : i32
      %select_n3A_223 = arith.select %and3A_221, %add3A_222, %rem3A_213 : i32
      %mul3A_224 = arith.constant 100096 : i32
      %mul3A_225 = arith.muli %select_n3A_223, %mul3A_224 : i32
      %add3A_226 = arith.addi %mul3A_207, %mul3A_225 : i32
      %dma_start3A_227 = arith.constant 0 : i32
      %dma_start3A_228 = tpu.memref_slice %arg6[%add3A_181, %dma_start3A_227] : memref<208x128xf32, #tpu.memory_space<vmem>> -> memref<1x128xf32, #tpu.memory_space<vmem>>
      %dma_start3A_229 = tpu.memref_squeeze %dma_start3A_228 : memref<1x128xf32, #tpu.memory_space<vmem>> -> memref<128xf32, #tpu.memory_space<vmem>>
      %dma_start3A_230 = arith.constant 0 : i32
      %dma_start3A_231 = tpu.memref_slice %arg5[%scan3A_14, %dma_start3A_230] : memref<13x128xi32, #tpu.memory_space<vmem>> -> memref<1x128xi32, #tpu.memory_space<vmem>>
      %dma_start3A_232 = tpu.memref_squeeze %dma_start3A_231 : memref<1x128xi32, #tpu.memory_space<vmem>> -> memref<128xi32, #tpu.memory_space<vmem>>
      %dma_start3A_233 = tpu.memref_slice %arg2[%add3A_226] : memref<20819968xf32, #tpu.memory_space<hbm>> -> memref<100096xf32, #tpu.memory_space<hbm>>
      %dma_start3A_234 = arith.constant 0 : i32
      %dma_start3A_235 = tpu.memref_slice %dma_start3A_233[%dma_start3A_234] : memref<100096xf32, #tpu.memory_space<hbm>> -> memref<100096xf32, #tpu.memory_space<hbm>>
      tpu.enqueue_indirect_dma source(%dma_start3A_235 : memref<100096xf32, #tpu.memory_space<hbm>>) target(%dma_start3A_229 : memref<128xf32, #tpu.memory_space<vmem>>) offsets(%dma_start3A_232 : memref<128xi32, #tpu.memory_space<vmem>>) semaphore(%arg7 : memref<!tpu.dma_semaphore, #tpu.memory_space<semaphore_mem>>)
      %mul3A_236 = arith.constant 16 : i32
      %mul3A_237 = arith.muli %scan3A_14, %mul3A_236 : i32
      %add3A_238 = arith.constant 4 : i32
      %add3A_239 = arith.addi %mul3A_237, %add3A_238 : i32
      %jit3A_240 = arith.constant 8 : i32
      %div3A_241 = arith.divsi %add3A_239, %jit3A_240 : i32
      %sign3A_242 = arith.constant 0 : i32
      %sign3A_243 = arith.cmpi sgt, %add3A_239, %sign3A_242 : i32
      %sign3A_244 = arith.extui %sign3A_243 : i1 to i32
      %sign3A_245 = arith.constant 0 : i32
      %sign3A_246 = arith.cmpi slt, %add3A_239, %sign3A_245 : i32
      %sign3A_247 = arith.extui %sign3A_246 : i1 to i32
      %sign3A_248 = arith.subi %sign3A_244, %sign3A_247 : i32
      %sign3A_249 = arith.constant 0 : i32
      %sign3A_250 = arith.cmpi sgt, %jit3A_240, %sign3A_249 : i32
      %sign3A_251 = arith.extui %sign3A_250 : i1 to i32
      %sign3A_252 = arith.constant 0 : i32
      %sign3A_253 = arith.cmpi slt, %jit3A_240, %sign3A_252 : i32
      %sign3A_254 = arith.extui %sign3A_253 : i1 to i32
      %sign3A_255 = arith.subi %sign3A_251, %sign3A_254 : i32
      %ne3A_256 = arith.cmpi ne, %sign3A_248, %sign3A_255 : i32
      %rem3A_257 = arith.remsi %add3A_239, %jit3A_240 : i32
      %ne3A_258 = arith.constant 0 : i32
      %ne3A_259 = arith.cmpi ne, %rem3A_257, %ne3A_258 : i32
      %and3A_260 = arith.andi %ne3A_256, %ne3A_259 : i1
      %sub3A_261 = arith.constant 1 : i32
      %sub3A_262 = arith.subi %div3A_241, %sub3A_261 : i32
      %select_n3A_263 = arith.select %and3A_260, %sub3A_262, %div3A_241 : i32
      %mul3A_264 = arith.constant 800768 : i32
      %mul3A_265 = arith.muli %select_n3A_263, %mul3A_264 : i32
      %jit3A_266 = arith.constant 8 : i32
      %eq3A_267 = arith.constant 0 : i32
      %eq3A_268 = arith.cmpi eq, %jit3A_266, %eq3A_267 : i32
      %jit3A_269 = arith.constant 1 : i32
      %select_n3A_270 = arith.select %eq3A_268, %jit3A_269, %jit3A_266 : i32
      %rem3A_271 = arith.remsi %add3A_239, %select_n3A_270 : i32
      %ne3A_272 = arith.constant 0 : i32
      %ne3A_273 = arith.cmpi ne, %rem3A_271, %ne3A_272 : i32
      %lt3A_274 = arith.constant 0 : i32
      %lt3A_275 = arith.cmpi slt, %rem3A_271, %lt3A_274 : i32
      %lt3A_276 = arith.constant 0 : i32
      %lt3A_277 = arith.cmpi slt, %select_n3A_270, %lt3A_276 : i32
      %ne3A_278 = arith.xori %lt3A_275, %lt3A_277 : i1
      %and3A_279 = arith.andi %ne3A_278, %ne3A_273 : i1
      %add3A_280 = arith.addi %rem3A_271, %select_n3A_270 : i32
      %select_n3A_281 = arith.select %and3A_279, %add3A_280, %rem3A_271 : i32
      %mul3A_282 = arith.constant 100096 : i32
      %mul3A_283 = arith.muli %select_n3A_281, %mul3A_282 : i32
      %add3A_284 = arith.addi %mul3A_265, %mul3A_283 : i32
      %dma_start3A_285 = arith.constant 0 : i32
      %dma_start3A_286 = tpu.memref_slice %arg6[%add3A_239, %dma_start3A_285] : memref<208x128xf32, #tpu.memory_space<vmem>> -> memref<1x128xf32, #tpu.memory_space<vmem>>
      %dma_start3A_287 = tpu.memref_squeeze %dma_start3A_286 : memref<1x128xf32, #tpu.memory_space<vmem>> -> memref<128xf32, #tpu.memory_space<vmem>>
      %dma_start3A_288 = arith.constant 0 : i32
      %dma_start3A_289 = tpu.memref_slice %arg5[%scan3A_14, %dma_start3A_288] : memref<13x128xi32, #tpu.memory_space<vmem>> -> memref<1x128xi32, #tpu.memory_space<vmem>>
      %dma_start3A_290 = tpu.memref_squeeze %dma_start3A_289 : memref<1x128xi32, #tpu.memory_space<vmem>> -> memref<128xi32, #tpu.memory_space<vmem>>
      %dma_start3A_291 = tpu.memref_slice %arg2[%add3A_284] : memref<20819968xf32, #tpu.memory_space<hbm>> -> memref<100096xf32, #tpu.memory_space<hbm>>
      %dma_start3A_292 = arith.constant 0 : i32
      %dma_start3A_293 = tpu.memref_slice %dma_start3A_291[%dma_start3A_292] : memref<100096xf32, #tpu.memory_space<hbm>> -> memref<100096xf32, #tpu.memory_space<hbm>>
      tpu.enqueue_indirect_dma source(%dma_start3A_293 : memref<100096xf32, #tpu.memory_space<hbm>>) target(%dma_start3A_287 : memref<128xf32, #tpu.memory_space<vmem>>) offsets(%dma_start3A_290 : memref<128xi32, #tpu.memory_space<vmem>>) semaphore(%arg7 : memref<!tpu.dma_semaphore, #tpu.memory_space<semaphore_mem>>)
      %mul3A_294 = arith.constant 16 : i32
      %mul3A_295 = arith.muli %scan3A_14, %mul3A_294 : i32
      %add3A_296 = arith.constant 5 : i32
      %add3A_297 = arith.addi %mul3A_295, %add3A_296 : i32
      %jit3A_298 = arith.constant 8 : i32
      %div3A_299 = arith.divsi %add3A_297, %jit3A_298 : i32
      %sign3A_300 = arith.constant 0 : i32
      %sign3A_301 = arith.cmpi sgt, %add3A_297, %sign3A_300 : i32
      %sign3A_302 = arith.extui %sign3A_301 : i1 to i32
      %sign3A_303 = arith.constant 0 : i32
      %sign3A_304 = arith.cmpi slt, %add3A_297, %sign3A_303 : i32
      %sign3A_305 = arith.extui %sign3A_304 : i1 to i32
      %sign3A_306 = arith.subi %sign3A_302, %sign3A_305 : i32
      %sign3A_307 = arith.constant 0 : i32
      %sign3A_308 = arith.cmpi sgt, %jit3A_298, %sign3A_307 : i32
      %sign3A_309 = arith.extui %sign3A_308 : i1 to i32
      %sign3A_310 = arith.constant 0 : i32
      %sign3A_311 = arith.cmpi slt, %jit3A_298, %sign3A_310 : i32
      %sign3A_312 = arith.extui %sign3A_311 : i1 to i32
      %sign3A_313 = arith.subi %sign3A_309, %sign3A_312 : i32
      %ne3A_314 = arith.cmpi ne, %sign3A_306, %sign3A_313 : i32
      %rem3A_315 = arith.remsi %add3A_297, %jit3A_298 : i32
      %ne3A_316 = arith.constant 0 : i32
      %ne3A_317 = arith.cmpi ne, %rem3A_315, %ne3A_316 : i32
      %and3A_318 = arith.andi %ne3A_314, %ne3A_317 : i1
      %sub3A_319 = arith.constant 1 : i32
      %sub3A_320 = arith.subi %div3A_299, %sub3A_319 : i32
      %select_n3A_321 = arith.select %and3A_318, %sub3A_320, %div3A_299 : i32
      %mul3A_322 = arith.constant 800768 : i32
      %mul3A_323 = arith.muli %select_n3A_321, %mul3A_322 : i32
      %jit3A_324 = arith.constant 8 : i32
      %eq3A_325 = arith.constant 0 : i32
      %eq3A_326 = arith.cmpi eq, %jit3A_324, %eq3A_325 : i32
      %jit3A_327 = arith.constant 1 : i32
      %select_n3A_328 = arith.select %eq3A_326, %jit3A_327, %jit3A_324 : i32
      %rem3A_329 = arith.remsi %add3A_297, %select_n3A_328 : i32
      %ne3A_330 = arith.constant 0 : i32
      %ne3A_331 = arith.cmpi ne, %rem3A_329, %ne3A_330 : i32
      %lt3A_332 = arith.constant 0 : i32
      %lt3A_333 = arith.cmpi slt, %rem3A_329, %lt3A_332 : i32
      %lt3A_334 = arith.constant 0 : i32
      %lt3A_335 = arith.cmpi slt, %select_n3A_328, %lt3A_334 : i32
      %ne3A_336 = arith.xori %lt3A_333, %lt3A_335 : i1
      %and3A_337 = arith.andi %ne3A_336, %ne3A_331 : i1
      %add3A_338 = arith.addi %rem3A_329, %select_n3A_328 : i32
      %select_n3A_339 = arith.select %and3A_337, %add3A_338, %rem3A_329 : i32
      %mul3A_340 = arith.constant 100096 : i32
      %mul3A_341 = arith.muli %select_n3A_339, %mul3A_340 : i32
      %add3A_342 = arith.addi %mul3A_323, %mul3A_341 : i32
      %dma_start3A_343 = arith.constant 0 : i32
      %dma_start3A_344 = tpu.memref_slice %arg6[%add3A_297, %dma_start3A_343] : memref<208x128xf32, #tpu.memory_space<vmem>> -> memref<1x128xf32, #tpu.memory_space<vmem>>
      %dma_start3A_345 = tpu.memref_squeeze %dma_start3A_344 : memref<1x128xf32, #tpu.memory_space<vmem>> -> memref<128xf32, #tpu.memory_space<vmem>>
      %dma_start3A_346 = arith.constant 0 : i32
      %dma_start3A_347 = tpu.memref_slice %arg5[%scan3A_14, %dma_start3A_346] : memref<13x128xi32, #tpu.memory_space<vmem>> -> memref<1x128xi32, #tpu.memory_space<vmem>>
      %dma_start3A_348 = tpu.memref_squeeze %dma_start3A_347 : memref<1x128xi32, #tpu.memory_space<vmem>> -> memref<128xi32, #tpu.memory_space<vmem>>
      %dma_start3A_349 = tpu.memref_slice %arg2[%add3A_342] : memref<20819968xf32, #tpu.memory_space<hbm>> -> memref<100096xf32, #tpu.memory_space<hbm>>
      %dma_start3A_350 = arith.constant 0 : i32
      %dma_start3A_351 = tpu.memref_slice %dma_start3A_349[%dma_start3A_350] : memref<100096xf32, #tpu.memory_space<hbm>> -> memref<100096xf32, #tpu.memory_space<hbm>>
      tpu.enqueue_indirect_dma source(%dma_start3A_351 : memref<100096xf32, #tpu.memory_space<hbm>>) target(%dma_start3A_345 : memref<128xf32, #tpu.memory_space<vmem>>) offsets(%dma_start3A_348 : memref<128xi32, #tpu.memory_space<vmem>>) semaphore(%arg7 : memref<!tpu.dma_semaphore, #tpu.memory_space<semaphore_mem>>)
      %mul3A_352 = arith.constant 16 : i32
      %mul3A_353 = arith.muli %scan3A_14, %mul3A_352 : i32
      %add3A_354 = arith.constant 6 : i32
      %add3A_355 = arith.addi %mul3A_353, %add3A_354 : i32
      %jit3A_356 = arith.constant 8 : i32
      %div3A_357 = arith.divsi %add3A_355, %jit3A_356 : i32
      %sign3A_358 = arith.constant 0 : i32
      %sign3A_359 = arith.cmpi sgt, %add3A_355, %sign3A_358 : i32
      %sign3A_360 = arith.extui %sign3A_359 : i1 to i32
      %sign3A_361 = arith.constant 0 : i32
      %sign3A_362 = arith.cmpi slt, %add3A_355, %sign3A_361 : i32
      %sign3A_363 = arith.extui %sign3A_362 : i1 to i32
      %sign3A_364 = arith.subi %sign3A_360, %sign3A_363 : i32
      %sign3A_365 = arith.constant 0 : i32
      %sign3A_366 = arith.cmpi sgt, %jit3A_356, %sign3A_365 : i32
      %sign3A_367 = arith.extui %sign3A_366 : i1 to i32
      %sign3A_368 = arith.constant 0 : i32
      %sign3A_369 = arith.cmpi slt, %jit3A_356, %sign3A_368 : i32
      %sign3A_370 = arith.extui %sign3A_369 : i1 to i32
      %sign3A_371 = arith.subi %sign3A_367, %sign3A_370 : i32
      %ne3A_372 = arith.cmpi ne, %sign3A_364, %sign3A_371 : i32
      %rem3A_373 = arith.remsi %add3A_355, %jit3A_356 : i32
      %ne3A_374 = arith.constant 0 : i32
      %ne3A_375 = arith.cmpi ne, %rem3A_373, %ne3A_374 : i32
      %and3A_376 = arith.andi %ne3A_372, %ne3A_375 : i1
      %sub3A_377 = arith.constant 1 : i32
      %sub3A_378 = arith.subi %div3A_357, %sub3A_377 : i32
      %select_n3A_379 = arith.select %and3A_376, %sub3A_378, %div3A_357 : i32
      %mul3A_380 = arith.constant 800768 : i32
      %mul3A_381 = arith.muli %select_n3A_379, %mul3A_380 : i32
      %jit3A_382 = arith.constant 8 : i32
      %eq3A_383 = arith.constant 0 : i32
      %eq3A_384 = arith.cmpi eq, %jit3A_382, %eq3A_383 : i32
      %jit3A_385 = arith.constant 1 : i32
      %select_n3A_386 = arith.select %eq3A_384, %jit3A_385, %jit3A_382 : i32
      %rem3A_387 = arith.remsi %add3A_355, %select_n3A_386 : i32
      %ne3A_388 = arith.constant 0 : i32
      %ne3A_389 = arith.cmpi ne, %rem3A_387, %ne3A_388 : i32
      %lt3A_390 = arith.constant 0 : i32
      %lt3A_391 = arith.cmpi slt, %rem3A_387, %lt3A_390 : i32
      %lt3A_392 = arith.constant 0 : i32
      %lt3A_393 = arith.cmpi slt, %select_n3A_386, %lt3A_392 : i32
      %ne3A_394 = arith.xori %lt3A_391, %lt3A_393 : i1
      %and3A_395 = arith.andi %ne3A_394, %ne3A_389 : i1
      %add3A_396 = arith.addi %rem3A_387, %select_n3A_386 : i32
      %select_n3A_397 = arith.select %and3A_395, %add3A_396, %rem3A_387 : i32
      %mul3A_398 = arith.constant 100096 : i32
      %mul3A_399 = arith.muli %select_n3A_397, %mul3A_398 : i32
      %add3A_400 = arith.addi %mul3A_381, %mul3A_399 : i32
      %dma_start3A_401 = arith.constant 0 : i32
      %dma_start3A_402 = tpu.memref_slice %arg6[%add3A_355, %dma_start3A_401] : memref<208x128xf32, #tpu.memory_space<vmem>> -> memref<1x128xf32, #tpu.memory_space<vmem>>
      %dma_start3A_403 = tpu.memref_squeeze %dma_start3A_402 : memref<1x128xf32, #tpu.memory_space<vmem>> -> memref<128xf32, #tpu.memory_space<vmem>>
      %dma_start3A_404 = arith.constant 0 : i32
      %dma_start3A_405 = tpu.memref_slice %arg5[%scan3A_14, %dma_start3A_404] : memref<13x128xi32, #tpu.memory_space<vmem>> -> memref<1x128xi32, #tpu.memory_space<vmem>>
      %dma_start3A_406 = tpu.memref_squeeze %dma_start3A_405 : memref<1x128xi32, #tpu.memory_space<vmem>> -> memref<128xi32, #tpu.memory_space<vmem>>
      %dma_start3A_407 = tpu.memref_slice %arg2[%add3A_400] : memref<20819968xf32, #tpu.memory_space<hbm>> -> memref<100096xf32, #tpu.memory_space<hbm>>
      %dma_start3A_408 = arith.constant 0 : i32
      %dma_start3A_409 = tpu.memref_slice %dma_start3A_407[%dma_start3A_408] : memref<100096xf32, #tpu.memory_space<hbm>> -> memref<100096xf32, #tpu.memory_space<hbm>>
      tpu.enqueue_indirect_dma source(%dma_start3A_409 : memref<100096xf32, #tpu.memory_space<hbm>>) target(%dma_start3A_403 : memref<128xf32, #tpu.memory_space<vmem>>) offsets(%dma_start3A_406 : memref<128xi32, #tpu.memory_space<vmem>>) semaphore(%arg7 : memref<!tpu.dma_semaphore, #tpu.memory_space<semaphore_mem>>)
      %mul3A_410 = arith.constant 16 : i32
      %mul3A_411 = arith.muli %scan3A_14, %mul3A_410 : i32
      %add3A_412 = arith.constant 7 : i32
      %add3A_413 = arith.addi %mul3A_411, %add3A_412 : i32
      %jit3A_414 = arith.constant 8 : i32
      %div3A_415 = arith.divsi %add3A_413, %jit3A_414 : i32
      %sign3A_416 = arith.constant 0 : i32
      %sign3A_417 = arith.cmpi sgt, %add3A_413, %sign3A_416 : i32
      %sign3A_418 = arith.extui %sign3A_417 : i1 to i32
      %sign3A_419 = arith.constant 0 : i32
      %sign3A_420 = arith.cmpi slt, %add3A_413, %sign3A_419 : i32
      %sign3A_421 = arith.extui %sign3A_420 : i1 to i32
      %sign3A_422 = arith.subi %sign3A_418, %sign3A_421 : i32
      %sign3A_423 = arith.constant 0 : i32
      %sign3A_424 = arith.cmpi sgt, %jit3A_414, %sign3A_423 : i32
      %sign3A_425 = arith.extui %sign3A_424 : i1 to i32
      %sign3A_426 = arith.constant 0 : i32
      %sign3A_427 = arith.cmpi slt, %jit3A_414, %sign3A_426 : i32
      %sign3A_428 = arith.extui %sign3A_427 : i1 to i32
      %sign3A_429 = arith.subi %sign3A_425, %sign3A_428 : i32
      %ne3A_430 = arith.cmpi ne, %sign3A_422, %sign3A_429 : i32
      %rem3A_431 = arith.remsi %add3A_413, %jit3A_414 : i32
      %ne3A_432 = arith.constant 0 : i32
      %ne3A_433 = arith.cmpi ne, %rem3A_431, %ne3A_432 : i32
      %and3A_434 = arith.andi %ne3A_430, %ne3A_433 : i1
      %sub3A_435 = arith.constant 1 : i32
      %sub3A_436 = arith.subi %div3A_415, %sub3A_435 : i32
      %select_n3A_437 = arith.select %and3A_434, %sub3A_436, %div3A_415 : i32
      %mul3A_438 = arith.constant 800768 : i32
      %mul3A_439 = arith.muli %select_n3A_437, %mul3A_438 : i32
      %jit3A_440 = arith.constant 8 : i32
      %eq3A_441 = arith.constant 0 : i32
      %eq3A_442 = arith.cmpi eq, %jit3A_440, %eq3A_441 : i32
      %jit3A_443 = arith.constant 1 : i32
      %select_n3A_444 = arith.select %eq3A_442, %jit3A_443, %jit3A_440 : i32
      %rem3A_445 = arith.remsi %add3A_413, %select_n3A_444 : i32
      %ne3A_446 = arith.constant 0 : i32
      %ne3A_447 = arith.cmpi ne, %rem3A_445, %ne3A_446 : i32
      %lt3A_448 = arith.constant 0 : i32
      %lt3A_449 = arith.cmpi slt, %rem3A_445, %lt3A_448 : i32
      %lt3A_450 = arith.constant 0 : i32
      %lt3A_451 = arith.cmpi slt, %select_n3A_444, %lt3A_450 : i32
      %ne3A_452 = arith.xori %lt3A_449, %lt3A_451 : i1
      %and3A_453 = arith.andi %ne3A_452, %ne3A_447 : i1
      %add3A_454 = arith.addi %rem3A_445, %select_n3A_444 : i32
      %select_n3A_455 = arith.select %and3A_453, %add3A_454, %rem3A_445 : i32
      %mul3A_456 = arith.constant 100096 : i32
      %mul3A_457 = arith.muli %select_n3A_455, %mul3A_456 : i32
      %add3A_458 = arith.addi %mul3A_439, %mul3A_457 : i32
      %dma_start3A_459 = arith.constant 0 : i32
      %dma_start3A_460 = tpu.memref_slice %arg6[%add3A_413, %dma_start3A_459] : memref<208x128xf32, #tpu.memory_space<vmem>> -> memref<1x128xf32, #tpu.memory_space<vmem>>
      %dma_start3A_461 = tpu.memref_squeeze %dma_start3A_460 : memref<1x128xf32, #tpu.memory_space<vmem>> -> memref<128xf32, #tpu.memory_space<vmem>>
      %dma_start3A_462 = arith.constant 0 : i32
      %dma_start3A_463 = tpu.memref_slice %arg5[%scan3A_14, %dma_start3A_462] : memref<13x128xi32, #tpu.memory_space<vmem>> -> memref<1x128xi32, #tpu.memory_space<vmem>>
      %dma_start3A_464 = tpu.memref_squeeze %dma_start3A_463 : memref<1x128xi32, #tpu.memory_space<vmem>> -> memref<128xi32, #tpu.memory_space<vmem>>
      %dma_start3A_465 = tpu.memref_slice %arg2[%add3A_458] : memref<20819968xf32, #tpu.memory_space<hbm>> -> memref<100096xf32, #tpu.memory_space<hbm>>
      %dma_start3A_466 = arith.constant 0 : i32
      %dma_start3A_467 = tpu.memref_slice %dma_start3A_465[%dma_start3A_466] : memref<100096xf32, #tpu.memory_space<hbm>> -> memref<100096xf32, #tpu.memory_space<hbm>>
      tpu.enqueue_indirect_dma source(%dma_start3A_467 : memref<100096xf32, #tpu.memory_space<hbm>>) target(%dma_start3A_461 : memref<128xf32, #tpu.memory_space<vmem>>) offsets(%dma_start3A_464 : memref<128xi32, #tpu.memory_space<vmem>>) semaphore(%arg7 : memref<!tpu.dma_semaphore, #tpu.memory_space<semaphore_mem>>)
      %mul3A_468 = arith.constant 16 : i32
      %mul3A_469 = arith.muli %scan3A_14, %mul3A_468 : i32
      %add3A_470 = arith.constant 8 : i32
      %add3A_471 = arith.addi %mul3A_469, %add3A_470 : i32
      %jit3A_472 = arith.constant 8 : i32
      %div3A_473 = arith.divsi %add3A_471, %jit3A_472 : i32
      %sign3A_474 = arith.constant 0 : i32
      %sign3A_475 = arith.cmpi sgt, %add3A_471, %sign3A_474 : i32
      %sign3A_476 = arith.extui %sign3A_475 : i1 to i32
      %sign3A_477 = arith.constant 0 : i32
      %sign3A_478 = arith.cmpi slt, %add3A_471, %sign3A_477 : i32
      %sign3A_479 = arith.extui %sign3A_478 : i1 to i32
      %sign3A_480 = arith.subi %sign3A_476, %sign3A_479 : i32
      %sign3A_481 = arith.constant 0 : i32
      %sign3A_482 = arith.cmpi sgt, %jit3A_472, %sign3A_481 : i32
      %sign3A_483 = arith.extui %sign3A_482 : i1 to i32
      %sign3A_484 = arith.constant 0 : i32
      %sign3A_485 = arith.cmpi slt, %jit3A_472, %sign3A_484 : i32
      %sign3A_486 = arith.extui %sign3A_485 : i1 to i32
      %sign3A_487 = arith.subi %sign3A_483, %sign3A_486 : i32
      %ne3A_488 = arith.cmpi ne, %sign3A_480, %sign3A_487 : i32
      %rem3A_489 = arith.remsi %add3A_471, %jit3A_472 : i32
      %ne3A_490 = arith.constant 0 : i32
      %ne3A_491 = arith.cmpi ne, %rem3A_489, %ne3A_490 : i32
      %and3A_492 = arith.andi %ne3A_488, %ne3A_491 : i1
      %sub3A_493 = arith.constant 1 : i32
      %sub3A_494 = arith.subi %div3A_473, %sub3A_493 : i32
      %select_n3A_495 = arith.select %and3A_492, %sub3A_494, %div3A_473 : i32
      %mul3A_496 = arith.constant 800768 : i32
      %mul3A_497 = arith.muli %select_n3A_495, %mul3A_496 : i32
      %jit3A_498 = arith.constant 8 : i32
      %eq3A_499 = arith.constant 0 : i32
      %eq3A_500 = arith.cmpi eq, %jit3A_498, %eq3A_499 : i32
      %jit3A_501 = arith.constant 1 : i32
      %select_n3A_502 = arith.select %eq3A_500, %jit3A_501, %jit3A_498 : i32
      %rem3A_503 = arith.remsi %add3A_471, %select_n3A_502 : i32
      %ne3A_504 = arith.constant 0 : i32
      %ne3A_505 = arith.cmpi ne, %rem3A_503, %ne3A_504 : i32
      %lt3A_506 = arith.constant 0 : i32
      %lt3A_507 = arith.cmpi slt, %rem3A_503, %lt3A_506 : i32
      %lt3A_508 = arith.constant 0 : i32
      %lt3A_509 = arith.cmpi slt, %select_n3A_502, %lt3A_508 : i32
      %ne3A_510 = arith.xori %lt3A_507, %lt3A_509 : i1
      %and3A_511 = arith.andi %ne3A_510, %ne3A_505 : i1
      %add3A_512 = arith.addi %rem3A_503, %select_n3A_502 : i32
      %select_n3A_513 = arith.select %and3A_511, %add3A_512, %rem3A_503 : i32
      %mul3A_514 = arith.constant 100096 : i32
      %mul3A_515 = arith.muli %select_n3A_513, %mul3A_514 : i32
      %add3A_516 = arith.addi %mul3A_497, %mul3A_515 : i32
      %dma_start3A_517 = arith.constant 0 : i32
      %dma_start3A_518 = tpu.memref_slice %arg6[%add3A_471, %dma_start3A_517] : memref<208x128xf32, #tpu.memory_space<vmem>> -> memref<1x128xf32, #tpu.memory_space<vmem>>
      %dma_start3A_519 = tpu.memref_squeeze %dma_start3A_518 : memref<1x128xf32, #tpu.memory_space<vmem>> -> memref<128xf32, #tpu.memory_space<vmem>>
      %dma_start3A_520 = arith.constant 0 : i32
      %dma_start3A_521 = tpu.memref_slice %arg5[%scan3A_14, %dma_start3A_520] : memref<13x128xi32, #tpu.memory_space<vmem>> -> memref<1x128xi32, #tpu.memory_space<vmem>>
      %dma_start3A_522 = tpu.memref_squeeze %dma_start3A_521 : memref<1x128xi32, #tpu.memory_space<vmem>> -> memref<128xi32, #tpu.memory_space<vmem>>
      %dma_start3A_523 = tpu.memref_slice %arg2[%add3A_516] : memref<20819968xf32, #tpu.memory_space<hbm>> -> memref<100096xf32, #tpu.memory_space<hbm>>
      %dma_start3A_524 = arith.constant 0 : i32
      %dma_start3A_525 = tpu.memref_slice %dma_start3A_523[%dma_start3A_524] : memref<100096xf32, #tpu.memory_space<hbm>> -> memref<100096xf32, #tpu.memory_space<hbm>>
      tpu.enqueue_indirect_dma source(%dma_start3A_525 : memref<100096xf32, #tpu.memory_space<hbm>>) target(%dma_start3A_519 : memref<128xf32, #tpu.memory_space<vmem>>) offsets(%dma_start3A_522 : memref<128xi32, #tpu.memory_space<vmem>>) semaphore(%arg7 : memref<!tpu.dma_semaphore, #tpu.memory_space<semaphore_mem>>)
      %mul3A_526 = arith.constant 16 : i32
      %mul3A_527 = arith.muli %scan3A_14, %mul3A_526 : i32
      %add3A_528 = arith.constant 9 : i32
      %add3A_529 = arith.addi %mul3A_527, %add3A_528 : i32
      %jit3A_530 = arith.constant 8 : i32
      %div3A_531 = arith.divsi %add3A_529, %jit3A_530 : i32
      %sign3A_532 = arith.constant 0 : i32
      %sign3A_533 = arith.cmpi sgt, %add3A_529, %sign3A_532 : i32
      %sign3A_534 = arith.extui %sign3A_533 : i1 to i32
      %sign3A_535 = arith.constant 0 : i32
      %sign3A_536 = arith.cmpi slt, %add3A_529, %sign3A_535 : i32
      %sign3A_537 = arith.extui %sign3A_536 : i1 to i32
      %sign3A_538 = arith.subi %sign3A_534, %sign3A_537 : i32
      %sign3A_539 = arith.constant 0 : i32
      %sign3A_540 = arith.cmpi sgt, %jit3A_530, %sign3A_539 : i32
      %sign3A_541 = arith.extui %sign3A_540 : i1 to i32
      %sign3A_542 = arith.constant 0 : i32
      %sign3A_543 = arith.cmpi slt, %jit3A_530, %sign3A_542 : i32
      %sign3A_544 = arith.extui %sign3A_543 : i1 to i32
      %sign3A_545 = arith.subi %sign3A_541, %sign3A_544 : i32
      %ne3A_546 = arith.cmpi ne, %sign3A_538, %sign3A_545 : i32
      %rem3A_547 = arith.remsi %add3A_529, %jit3A_530 : i32
      %ne3A_548 = arith.constant 0 : i32
      %ne3A_549 = arith.cmpi ne, %rem3A_547, %ne3A_548 : i32
      %and3A_550 = arith.andi %ne3A_546, %ne3A_549 : i1
      %sub3A_551 = arith.constant 1 : i32
      %sub3A_552 = arith.subi %div3A_531, %sub3A_551 : i32
      %select_n3A_553 = arith.select %and3A_550, %sub3A_552, %div3A_531 : i32
      %mul3A_554 = arith.constant 800768 : i32
      %mul3A_555 = arith.muli %select_n3A_553, %mul3A_554 : i32
      %jit3A_556 = arith.constant 8 : i32
      %eq3A_557 = arith.constant 0 : i32
      %eq3A_558 = arith.cmpi eq, %jit3A_556, %eq3A_557 : i32
      %jit3A_559 = arith.constant 1 : i32
      %select_n3A_560 = arith.select %eq3A_558, %jit3A_559, %jit3A_556 : i32
      %rem3A_561 = arith.remsi %add3A_529, %select_n3A_560 : i32
      %ne3A_562 = arith.constant 0 : i32
      %ne3A_563 = arith.cmpi ne, %rem3A_561, %ne3A_562 : i32
      %lt3A_564 = arith.constant 0 : i32
      %lt3A_565 = arith.cmpi slt, %rem3A_561, %lt3A_564 : i32
      %lt3A_566 = arith.constant 0 : i32
      %lt3A_567 = arith.cmpi slt, %select_n3A_560, %lt3A_566 : i32
      %ne3A_568 = arith.xori %lt3A_565, %lt3A_567 : i1
      %and3A_569 = arith.andi %ne3A_568, %ne3A_563 : i1
      %add3A_570 = arith.addi %rem3A_561, %select_n3A_560 : i32
      %select_n3A_571 = arith.select %and3A_569, %add3A_570, %rem3A_561 : i32
      %mul3A_572 = arith.constant 100096 : i32
      %mul3A_573 = arith.muli %select_n3A_571, %mul3A_572 : i32
      %add3A_574 = arith.addi %mul3A_555, %mul3A_573 : i32
      %dma_start3A_575 = arith.constant 0 : i32
      %dma_start3A_576 = tpu.memref_slice %arg6[%add3A_529, %dma_start3A_575] : memref<208x128xf32, #tpu.memory_space<vmem>> -> memref<1x128xf32, #tpu.memory_space<vmem>>
      %dma_start3A_577 = tpu.memref_squeeze %dma_start3A_576 : memref<1x128xf32, #tpu.memory_space<vmem>> -> memref<128xf32, #tpu.memory_space<vmem>>
      %dma_start3A_578 = arith.constant 0 : i32
      %dma_start3A_579 = tpu.memref_slice %arg5[%scan3A_14, %dma_start3A_578] : memref<13x128xi32, #tpu.memory_space<vmem>> -> memref<1x128xi32, #tpu.memory_space<vmem>>
      %dma_start3A_580 = tpu.memref_squeeze %dma_start3A_579 : memref<1x128xi32, #tpu.memory_space<vmem>> -> memref<128xi32, #tpu.memory_space<vmem>>
      %dma_start3A_581 = tpu.memref_slice %arg2[%add3A_574] : memref<20819968xf32, #tpu.memory_space<hbm>> -> memref<100096xf32, #tpu.memory_space<hbm>>
      %dma_start3A_582 = arith.constant 0 : i32
      %dma_start3A_583 = tpu.memref_slice %dma_start3A_581[%dma_start3A_582] : memref<100096xf32, #tpu.memory_space<hbm>> -> memref<100096xf32, #tpu.memory_space<hbm>>
      tpu.enqueue_indirect_dma source(%dma_start3A_583 : memref<100096xf32, #tpu.memory_space<hbm>>) target(%dma_start3A_577 : memref<128xf32, #tpu.memory_space<vmem>>) offsets(%dma_start3A_580 : memref<128xi32, #tpu.memory_space<vmem>>) semaphore(%arg7 : memref<!tpu.dma_semaphore, #tpu.memory_space<semaphore_mem>>)
      %mul3A_584 = arith.constant 16 : i32
      %mul3A_585 = arith.muli %scan3A_14, %mul3A_584 : i32
      %add3A_586 = arith.constant 10 : i32
      %add3A_587 = arith.addi %mul3A_585, %add3A_586 : i32
      %jit3A_588 = arith.constant 8 : i32
      %div3A_589 = arith.divsi %add3A_587, %jit3A_588 : i32
      %sign3A_590 = arith.constant 0 : i32
      %sign3A_591 = arith.cmpi sgt, %add3A_587, %sign3A_590 : i32
      %sign3A_592 = arith.extui %sign3A_591 : i1 to i32
      %sign3A_593 = arith.constant 0 : i32
      %sign3A_594 = arith.cmpi slt, %add3A_587, %sign3A_593 : i32
      %sign3A_595 = arith.extui %sign3A_594 : i1 to i32
      %sign3A_596 = arith.subi %sign3A_592, %sign3A_595 : i32
      %sign3A_597 = arith.constant 0 : i32
      %sign3A_598 = arith.cmpi sgt, %jit3A_588, %sign3A_597 : i32
      %sign3A_599 = arith.extui %sign3A_598 : i1 to i32
      %sign3A_600 = arith.constant 0 : i32
      %sign3A_601 = arith.cmpi slt, %jit3A_588, %sign3A_600 : i32
      %sign3A_602 = arith.extui %sign3A_601 : i1 to i32
      %sign3A_603 = arith.subi %sign3A_599, %sign3A_602 : i32
      %ne3A_604 = arith.cmpi ne, %sign3A_596, %sign3A_603 : i32
      %rem3A_605 = arith.remsi %add3A_587, %jit3A_588 : i32
      %ne3A_606 = arith.constant 0 : i32
      %ne3A_607 = arith.cmpi ne, %rem3A_605, %ne3A_606 : i32
      %and3A_608 = arith.andi %ne3A_604, %ne3A_607 : i1
      %sub3A_609 = arith.constant 1 : i32
      %sub3A_610 = arith.subi %div3A_589, %sub3A_609 : i32
      %select_n3A_611 = arith.select %and3A_608, %sub3A_610, %div3A_589 : i32
      %mul3A_612 = arith.constant 800768 : i32
      %mul3A_613 = arith.muli %select_n3A_611, %mul3A_612 : i32
      %jit3A_614 = arith.constant 8 : i32
      %eq3A_615 = arith.constant 0 : i32
      %eq3A_616 = arith.cmpi eq, %jit3A_614, %eq3A_615 : i32
      %jit3A_617 = arith.constant 1 : i32
      %select_n3A_618 = arith.select %eq3A_616, %jit3A_617, %jit3A_614 : i32
      %rem3A_619 = arith.remsi %add3A_587, %select_n3A_618 : i32
      %ne3A_620 = arith.constant 0 : i32
      %ne3A_621 = arith.cmpi ne, %rem3A_619, %ne3A_620 : i32
      %lt3A_622 = arith.constant 0 : i32
      %lt3A_623 = arith.cmpi slt, %rem3A_619, %lt3A_622 : i32
      %lt3A_624 = arith.constant 0 : i32
      %lt3A_625 = arith.cmpi slt, %select_n3A_618, %lt3A_624 : i32
      %ne3A_626 = arith.xori %lt3A_623, %lt3A_625 : i1
      %and3A_627 = arith.andi %ne3A_626, %ne3A_621 : i1
      %add3A_628 = arith.addi %rem3A_619, %select_n3A_618 : i32
      %select_n3A_629 = arith.select %and3A_627, %add3A_628, %rem3A_619 : i32
      %mul3A_630 = arith.constant 100096 : i32
      %mul3A_631 = arith.muli %select_n3A_629, %mul3A_630 : i32
      %add3A_632 = arith.addi %mul3A_613, %mul3A_631 : i32
      %dma_start3A_633 = arith.constant 0 : i32
      %dma_start3A_634 = tpu.memref_slice %arg6[%add3A_587, %dma_start3A_633] : memref<208x128xf32, #tpu.memory_space<vmem>> -> memref<1x128xf32, #tpu.memory_space<vmem>>
      %dma_start3A_635 = tpu.memref_squeeze %dma_start3A_634 : memref<1x128xf32, #tpu.memory_space<vmem>> -> memref<128xf32, #tpu.memory_space<vmem>>
      %dma_start3A_636 = arith.constant 0 : i32
      %dma_start3A_637 = tpu.memref_slice %arg5[%scan3A_14, %dma_start3A_636] : memref<13x128xi32, #tpu.memory_space<vmem>> -> memref<1x128xi32, #tpu.memory_space<vmem>>
      %dma_start3A_638 = tpu.memref_squeeze %dma_start3A_637 : memref<1x128xi32, #tpu.memory_space<vmem>> -> memref<128xi32, #tpu.memory_space<vmem>>
      %dma_start3A_639 = tpu.memref_slice %arg2[%add3A_632] : memref<20819968xf32, #tpu.memory_space<hbm>> -> memref<100096xf32, #tpu.memory_space<hbm>>
      %dma_start3A_640 = arith.constant 0 : i32
      %dma_start3A_641 = tpu.memref_slice %dma_start3A_639[%dma_start3A_640] : memref<100096xf32, #tpu.memory_space<hbm>> -> memref<100096xf32, #tpu.memory_space<hbm>>
      tpu.enqueue_indirect_dma source(%dma_start3A_641 : memref<100096xf32, #tpu.memory_space<hbm>>) target(%dma_start3A_635 : memref<128xf32, #tpu.memory_space<vmem>>) offsets(%dma_start3A_638 : memref<128xi32, #tpu.memory_space<vmem>>) semaphore(%arg7 : memref<!tpu.dma_semaphore, #tpu.memory_space<semaphore_mem>>)
      %mul3A_642 = arith.constant 16 : i32
      %mul3A_643 = arith.muli %scan3A_14, %mul3A_642 : i32
      %add3A_644 = arith.constant 11 : i32
      %add3A_645 = arith.addi %mul3A_643, %add3A_644 : i32
      %jit3A_646 = arith.constant 8 : i32
      %div3A_647 = arith.divsi %add3A_645, %jit3A_646 : i32
      %sign3A_648 = arith.constant 0 : i32
      %sign3A_649 = arith.cmpi sgt, %add3A_645, %sign3A_648 : i32
      %sign3A_650 = arith.extui %sign3A_649 : i1 to i32
      %sign3A_651 = arith.constant 0 : i32
      %sign3A_652 = arith.cmpi slt, %add3A_645, %sign3A_651 : i32
      %sign3A_653 = arith.extui %sign3A_652 : i1 to i32
      %sign3A_654 = arith.subi %sign3A_650, %sign3A_653 : i32
      %sign3A_655 = arith.constant 0 : i32
      %sign3A_656 = arith.cmpi sgt, %jit3A_646, %sign3A_655 : i32
      %sign3A_657 = arith.extui %sign3A_656 : i1 to i32
      %sign3A_658 = arith.constant 0 : i32
      %sign3A_659 = arith.cmpi slt, %jit3A_646, %sign3A_658 : i32
      %sign3A_660 = arith.extui %sign3A_659 : i1 to i32
      %sign3A_661 = arith.subi %sign3A_657, %sign3A_660 : i32
      %ne3A_662 = arith.cmpi ne, %sign3A_654, %sign3A_661 : i32
      %rem3A_663 = arith.remsi %add3A_645, %jit3A_646 : i32
      %ne3A_664 = arith.constant 0 : i32
      %ne3A_665 = arith.cmpi ne, %rem3A_663, %ne3A_664 : i32
      %and3A_666 = arith.andi %ne3A_662, %ne3A_665 : i1
      %sub3A_667 = arith.constant 1 : i32
      %sub3A_668 = arith.subi %div3A_647, %sub3A_667 : i32
      %select_n3A_669 = arith.select %and3A_666, %sub3A_668, %div3A_647 : i32
      %mul3A_670 = arith.constant 800768 : i32
      %mul3A_671 = arith.muli %select_n3A_669, %mul3A_670 : i32
      %jit3A_672 = arith.constant 8 : i32
      %eq3A_673 = arith.constant 0 : i32
      %eq3A_674 = arith.cmpi eq, %jit3A_672, %eq3A_673 : i32
      %jit3A_675 = arith.constant 1 : i32
      %select_n3A_676 = arith.select %eq3A_674, %jit3A_675, %jit3A_672 : i32
      %rem3A_677 = arith.remsi %add3A_645, %select_n3A_676 : i32
      %ne3A_678 = arith.constant 0 : i32
      %ne3A_679 = arith.cmpi ne, %rem3A_677, %ne3A_678 : i32
      %lt3A_680 = arith.constant 0 : i32
      %lt3A_681 = arith.cmpi slt, %rem3A_677, %lt3A_680 : i32
      %lt3A_682 = arith.constant 0 : i32
      %lt3A_683 = arith.cmpi slt, %select_n3A_676, %lt3A_682 : i32
      %ne3A_684 = arith.xori %lt3A_681, %lt3A_683 : i1
      %and3A_685 = arith.andi %ne3A_684, %ne3A_679 : i1
      %add3A_686 = arith.addi %rem3A_677, %select_n3A_676 : i32
      %select_n3A_687 = arith.select %and3A_685, %add3A_686, %rem3A_677 : i32
      %mul3A_688 = arith.constant 100096 : i32
      %mul3A_689 = arith.muli %select_n3A_687, %mul3A_688 : i32
      %add3A_690 = arith.addi %mul3A_671, %mul3A_689 : i32
      %dma_start3A_691 = arith.constant 0 : i32
      %dma_start3A_692 = tpu.memref_slice %arg6[%add3A_645, %dma_start3A_691] : memref<208x128xf32, #tpu.memory_space<vmem>> -> memref<1x128xf32, #tpu.memory_space<vmem>>
      %dma_start3A_693 = tpu.memref_squeeze %dma_start3A_692 : memref<1x128xf32, #tpu.memory_space<vmem>> -> memref<128xf32, #tpu.memory_space<vmem>>
      %dma_start3A_694 = arith.constant 0 : i32
      %dma_start3A_695 = tpu.memref_slice %arg5[%scan3A_14, %dma_start3A_694] : memref<13x128xi32, #tpu.memory_space<vmem>> -> memref<1x128xi32, #tpu.memory_space<vmem>>
      %dma_start3A_696 = tpu.memref_squeeze %dma_start3A_695 : memref<1x128xi32, #tpu.memory_space<vmem>> -> memref<128xi32, #tpu.memory_space<vmem>>
      %dma_start3A_697 = tpu.memref_slice %arg2[%add3A_690] : memref<20819968xf32, #tpu.memory_space<hbm>> -> memref<100096xf32, #tpu.memory_space<hbm>>
      %dma_start3A_698 = arith.constant 0 : i32
      %dma_start3A_699 = tpu.memref_slice %dma_start3A_697[%dma_start3A_698] : memref<100096xf32, #tpu.memory_space<hbm>> -> memref<100096xf32, #tpu.memory_space<hbm>>
      tpu.enqueue_indirect_dma source(%dma_start3A_699 : memref<100096xf32, #tpu.memory_space<hbm>>) target(%dma_start3A_693 : memref<128xf32, #tpu.memory_space<vmem>>) offsets(%dma_start3A_696 : memref<128xi32, #tpu.memory_space<vmem>>) semaphore(%arg7 : memref<!tpu.dma_semaphore, #tpu.memory_space<semaphore_mem>>)
      %mul3A_700 = arith.constant 16 : i32
      %mul3A_701 = arith.muli %scan3A_14, %mul3A_700 : i32
      %add3A_702 = arith.constant 12 : i32
      %add3A_703 = arith.addi %mul3A_701, %add3A_702 : i32
      %jit3A_704 = arith.constant 8 : i32
      %div3A_705 = arith.divsi %add3A_703, %jit3A_704 : i32
      %sign3A_706 = arith.constant 0 : i32
      %sign3A_707 = arith.cmpi sgt, %add3A_703, %sign3A_706 : i32
      %sign3A_708 = arith.extui %sign3A_707 : i1 to i32
      %sign3A_709 = arith.constant 0 : i32
      %sign3A_710 = arith.cmpi slt, %add3A_703, %sign3A_709 : i32
      %sign3A_711 = arith.extui %sign3A_710 : i1 to i32
      %sign3A_712 = arith.subi %sign3A_708, %sign3A_711 : i32
      %sign3A_713 = arith.constant 0 : i32
      %sign3A_714 = arith.cmpi sgt, %jit3A_704, %sign3A_713 : i32
      %sign3A_715 = arith.extui %sign3A_714 : i1 to i32
      %sign3A_716 = arith.constant 0 : i32
      %sign3A_717 = arith.cmpi slt, %jit3A_704, %sign3A_716 : i32
      %sign3A_718 = arith.extui %sign3A_717 : i1 to i32
      %sign3A_719 = arith.subi %sign3A_715, %sign3A_718 : i32
      %ne3A_720 = arith.cmpi ne, %sign3A_712, %sign3A_719 : i32
      %rem3A_721 = arith.remsi %add3A_703, %jit3A_704 : i32
      %ne3A_722 = arith.constant 0 : i32
      %ne3A_723 = arith.cmpi ne, %rem3A_721, %ne3A_722 : i32
      %and3A_724 = arith.andi %ne3A_720, %ne3A_723 : i1
      %sub3A_725 = arith.constant 1 : i32
      %sub3A_726 = arith.subi %div3A_705, %sub3A_725 : i32
      %select_n3A_727 = arith.select %and3A_724, %sub3A_726, %div3A_705 : i32
      %mul3A_728 = arith.constant 800768 : i32
      %mul3A_729 = arith.muli %select_n3A_727, %mul3A_728 : i32
      %jit3A_730 = arith.constant 8 : i32
      %eq3A_731 = arith.constant 0 : i32
      %eq3A_732 = arith.cmpi eq, %jit3A_730, %eq3A_731 : i32
      %jit3A_733 = arith.constant 1 : i32
      %select_n3A_734 = arith.select %eq3A_732, %jit3A_733, %jit3A_730 : i32
      %rem3A_735 = arith.remsi %add3A_703, %select_n3A_734 : i32
      %ne3A_736 = arith.constant 0 : i32
      %ne3A_737 = arith.cmpi ne, %rem3A_735, %ne3A_736 : i32
      %lt3A_738 = arith.constant 0 : i32
      %lt3A_739 = arith.cmpi slt, %rem3A_735, %lt3A_738 : i32
      %lt3A_740 = arith.constant 0 : i32
      %lt3A_741 = arith.cmpi slt, %select_n3A_734, %lt3A_740 : i32
      %ne3A_742 = arith.xori %lt3A_739, %lt3A_741 : i1
      %and3A_743 = arith.andi %ne3A_742, %ne3A_737 : i1
      %add3A_744 = arith.addi %rem3A_735, %select_n3A_734 : i32
      %select_n3A_745 = arith.select %and3A_743, %add3A_744, %rem3A_735 : i32
      %mul3A_746 = arith.constant 100096 : i32
      %mul3A_747 = arith.muli %select_n3A_745, %mul3A_746 : i32
      %add3A_748 = arith.addi %mul3A_729, %mul3A_747 : i32
      %dma_start3A_749 = arith.constant 0 : i32
      %dma_start3A_750 = tpu.memref_slice %arg6[%add3A_703, %dma_start3A_749] : memref<208x128xf32, #tpu.memory_space<vmem>> -> memref<1x128xf32, #tpu.memory_space<vmem>>
      %dma_start3A_751 = tpu.memref_squeeze %dma_start3A_750 : memref<1x128xf32, #tpu.memory_space<vmem>> -> memref<128xf32, #tpu.memory_space<vmem>>
      %dma_start3A_752 = arith.constant 0 : i32
      %dma_start3A_753 = tpu.memref_slice %arg5[%scan3A_14, %dma_start3A_752] : memref<13x128xi32, #tpu.memory_space<vmem>> -> memref<1x128xi32, #tpu.memory_space<vmem>>
      %dma_start3A_754 = tpu.memref_squeeze %dma_start3A_753 : memref<1x128xi32, #tpu.memory_space<vmem>> -> memref<128xi32, #tpu.memory_space<vmem>>
      %dma_start3A_755 = tpu.memref_slice %arg2[%add3A_748] : memref<20819968xf32, #tpu.memory_space<hbm>> -> memref<100096xf32, #tpu.memory_space<hbm>>
      %dma_start3A_756 = arith.constant 0 : i32
      %dma_start3A_757 = tpu.memref_slice %dma_start3A_755[%dma_start3A_756] : memref<100096xf32, #tpu.memory_space<hbm>> -> memref<100096xf32, #tpu.memory_space<hbm>>
      tpu.enqueue_indirect_dma source(%dma_start3A_757 : memref<100096xf32, #tpu.memory_space<hbm>>) target(%dma_start3A_751 : memref<128xf32, #tpu.memory_space<vmem>>) offsets(%dma_start3A_754 : memref<128xi32, #tpu.memory_space<vmem>>) semaphore(%arg7 : memref<!tpu.dma_semaphore, #tpu.memory_space<semaphore_mem>>)
      %mul3A_758 = arith.constant 16 : i32
      %mul3A_759 = arith.muli %scan3A_14, %mul3A_758 : i32
      %add3A_760 = arith.constant 13 : i32
      %add3A_761 = arith.addi %mul3A_759, %add3A_760 : i32
      %jit3A_762 = arith.constant 8 : i32
      %div3A_763 = arith.divsi %add3A_761, %jit3A_762 : i32
      %sign3A_764 = arith.constant 0 : i32
      %sign3A_765 = arith.cmpi sgt, %add3A_761, %sign3A_764 : i32
      %sign3A_766 = arith.extui %sign3A_765 : i1 to i32
      %sign3A_767 = arith.constant 0 : i32
      %sign3A_768 = arith.cmpi slt, %add3A_761, %sign3A_767 : i32
      %sign3A_769 = arith.extui %sign3A_768 : i1 to i32
      %sign3A_770 = arith.subi %sign3A_766, %sign3A_769 : i32
      %sign3A_771 = arith.constant 0 : i32
      %sign3A_772 = arith.cmpi sgt, %jit3A_762, %sign3A_771 : i32
      %sign3A_773 = arith.extui %sign3A_772 : i1 to i32
      %sign3A_774 = arith.constant 0 : i32
      %sign3A_775 = arith.cmpi slt, %jit3A_762, %sign3A_774 : i32
      %sign3A_776 = arith.extui %sign3A_775 : i1 to i32
      %sign3A_777 = arith.subi %sign3A_773, %sign3A_776 : i32
      %ne3A_778 = arith.cmpi ne, %sign3A_770, %sign3A_777 : i32
      %rem3A_779 = arith.remsi %add3A_761, %jit3A_762 : i32
      %ne3A_780 = arith.constant 0 : i32
      %ne3A_781 = arith.cmpi ne, %rem3A_779, %ne3A_780 : i32
      %and3A_782 = arith.andi %ne3A_778, %ne3A_781 : i1
      %sub3A_783 = arith.constant 1 : i32
      %sub3A_784 = arith.subi %div3A_763, %sub3A_783 : i32
      %select_n3A_785 = arith.select %and3A_782, %sub3A_784, %div3A_763 : i32
      %mul3A_786 = arith.constant 800768 : i32
      %mul3A_787 = arith.muli %select_n3A_785, %mul3A_786 : i32
      %jit3A_788 = arith.constant 8 : i32
      %eq3A_789 = arith.constant 0 : i32
      %eq3A_790 = arith.cmpi eq, %jit3A_788, %eq3A_789 : i32
      %jit3A_791 = arith.constant 1 : i32
      %select_n3A_792 = arith.select %eq3A_790, %jit3A_791, %jit3A_788 : i32
      %rem3A_793 = arith.remsi %add3A_761, %select_n3A_792 : i32
      %ne3A_794 = arith.constant 0 : i32
      %ne3A_795 = arith.cmpi ne, %rem3A_793, %ne3A_794 : i32
      %lt3A_796 = arith.constant 0 : i32
      %lt3A_797 = arith.cmpi slt, %rem3A_793, %lt3A_796 : i32
      %lt3A_798 = arith.constant 0 : i32
      %lt3A_799 = arith.cmpi slt, %select_n3A_792, %lt3A_798 : i32
      %ne3A_800 = arith.xori %lt3A_797, %lt3A_799 : i1
      %and3A_801 = arith.andi %ne3A_800, %ne3A_795 : i1
      %add3A_802 = arith.addi %rem3A_793, %select_n3A_792 : i32
      %select_n3A_803 = arith.select %and3A_801, %add3A_802, %rem3A_793 : i32
      %mul3A_804 = arith.constant 100096 : i32
      %mul3A_805 = arith.muli %select_n3A_803, %mul3A_804 : i32
      %add3A_806 = arith.addi %mul3A_787, %mul3A_805 : i32
      %dma_start3A_807 = arith.constant 0 : i32
      %dma_start3A_808 = tpu.memref_slice %arg6[%add3A_761, %dma_start3A_807] : memref<208x128xf32, #tpu.memory_space<vmem>> -> memref<1x128xf32, #tpu.memory_space<vmem>>
      %dma_start3A_809 = tpu.memref_squeeze %dma_start3A_808 : memref<1x128xf32, #tpu.memory_space<vmem>> -> memref<128xf32, #tpu.memory_space<vmem>>
      %dma_start3A_810 = arith.constant 0 : i32
      %dma_start3A_811 = tpu.memref_slice %arg5[%scan3A_14, %dma_start3A_810] : memref<13x128xi32, #tpu.memory_space<vmem>> -> memref<1x128xi32, #tpu.memory_space<vmem>>
      %dma_start3A_812 = tpu.memref_squeeze %dma_start3A_811 : memref<1x128xi32, #tpu.memory_space<vmem>> -> memref<128xi32, #tpu.memory_space<vmem>>
      %dma_start3A_813 = tpu.memref_slice %arg2[%add3A_806] : memref<20819968xf32, #tpu.memory_space<hbm>> -> memref<100096xf32, #tpu.memory_space<hbm>>
      %dma_start3A_814 = arith.constant 0 : i32
      %dma_start3A_815 = tpu.memref_slice %dma_start3A_813[%dma_start3A_814] : memref<100096xf32, #tpu.memory_space<hbm>> -> memref<100096xf32, #tpu.memory_space<hbm>>
      tpu.enqueue_indirect_dma source(%dma_start3A_815 : memref<100096xf32, #tpu.memory_space<hbm>>) target(%dma_start3A_809 : memref<128xf32, #tpu.memory_space<vmem>>) offsets(%dma_start3A_812 : memref<128xi32, #tpu.memory_space<vmem>>) semaphore(%arg7 : memref<!tpu.dma_semaphore, #tpu.memory_space<semaphore_mem>>)
      %mul3A_816 = arith.constant 16 : i32
      %mul3A_817 = arith.muli %scan3A_14, %mul3A_816 : i32
      %add3A_818 = arith.constant 14 : i32
      %add3A_819 = arith.addi %mul3A_817, %add3A_818 : i32
      %jit3A_820 = arith.constant 8 : i32
      %div3A_821 = arith.divsi %add3A_819, %jit3A_820 : i32
      %sign3A_822 = arith.constant 0 : i32
      %sign3A_823 = arith.cmpi sgt, %add3A_819, %sign3A_822 : i32
      %sign3A_824 = arith.extui %sign3A_823 : i1 to i32
      %sign3A_825 = arith.constant 0 : i32
      %sign3A_826 = arith.cmpi slt, %add3A_819, %sign3A_825 : i32
      %sign3A_827 = arith.extui %sign3A_826 : i1 to i32
      %sign3A_828 = arith.subi %sign3A_824, %sign3A_827 : i32
      %sign3A_829 = arith.constant 0 : i32
      %sign3A_830 = arith.cmpi sgt, %jit3A_820, %sign3A_829 : i32
      %sign3A_831 = arith.extui %sign3A_830 : i1 to i32
      %sign3A_832 = arith.constant 0 : i32
      %sign3A_833 = arith.cmpi slt, %jit3A_820, %sign3A_832 : i32
      %sign3A_834 = arith.extui %sign3A_833 : i1 to i32
      %sign3A_835 = arith.subi %sign3A_831, %sign3A_834 : i32
      %ne3A_836 = arith.cmpi ne, %sign3A_828, %sign3A_835 : i32
      %rem3A_837 = arith.remsi %add3A_819, %jit3A_820 : i32
      %ne3A_838 = arith.constant 0 : i32
      %ne3A_839 = arith.cmpi ne, %rem3A_837, %ne3A_838 : i32
      %and3A_840 = arith.andi %ne3A_836, %ne3A_839 : i1
      %sub3A_841 = arith.constant 1 : i32
      %sub3A_842 = arith.subi %div3A_821, %sub3A_841 : i32
      %select_n3A_843 = arith.select %and3A_840, %sub3A_842, %div3A_821 : i32
      %mul3A_844 = arith.constant 800768 : i32
      %mul3A_845 = arith.muli %select_n3A_843, %mul3A_844 : i32
      %jit3A_846 = arith.constant 8 : i32
      %eq3A_847 = arith.constant 0 : i32
      %eq3A_848 = arith.cmpi eq, %jit3A_846, %eq3A_847 : i32
      %jit3A_849 = arith.constant 1 : i32
      %select_n3A_850 = arith.select %eq3A_848, %jit3A_849, %jit3A_846 : i32
      %rem3A_851 = arith.remsi %add3A_819, %select_n3A_850 : i32
      %ne3A_852 = arith.constant 0 : i32
      %ne3A_853 = arith.cmpi ne, %rem3A_851, %ne3A_852 : i32
      %lt3A_854 = arith.constant 0 : i32
      %lt3A_855 = arith.cmpi slt, %rem3A_851, %lt3A_854 : i32
      %lt3A_856 = arith.constant 0 : i32
      %lt3A_857 = arith.cmpi slt, %select_n3A_850, %lt3A_856 : i32
      %ne3A_858 = arith.xori %lt3A_855, %lt3A_857 : i1
      %and3A_859 = arith.andi %ne3A_858, %ne3A_853 : i1
      %add3A_860 = arith.addi %rem3A_851, %select_n3A_850 : i32
      %select_n3A_861 = arith.select %and3A_859, %add3A_860, %rem3A_851 : i32
      %mul3A_862 = arith.constant 100096 : i32
      %mul3A_863 = arith.muli %select_n3A_861, %mul3A_862 : i32
      %add3A_864 = arith.addi %mul3A_845, %mul3A_863 : i32
      %dma_start3A_865 = arith.constant 0 : i32
      %dma_start3A_866 = tpu.memref_slice %arg6[%add3A_819, %dma_start3A_865] : memref<208x128xf32, #tpu.memory_space<vmem>> -> memref<1x128xf32, #tpu.memory_space<vmem>>
      %dma_start3A_867 = tpu.memref_squeeze %dma_start3A_866 : memref<1x128xf32, #tpu.memory_space<vmem>> -> memref<128xf32, #tpu.memory_space<vmem>>
      %dma_start3A_868 = arith.constant 0 : i32
      %dma_start3A_869 = tpu.memref_slice %arg5[%scan3A_14, %dma_start3A_868] : memref<13x128xi32, #tpu.memory_space<vmem>> -> memref<1x128xi32, #tpu.memory_space<vmem>>
      %dma_start3A_870 = tpu.memref_squeeze %dma_start3A_869 : memref<1x128xi32, #tpu.memory_space<vmem>> -> memref<128xi32, #tpu.memory_space<vmem>>
      %dma_start3A_871 = tpu.memref_slice %arg2[%add3A_864] : memref<20819968xf32, #tpu.memory_space<hbm>> -> memref<100096xf32, #tpu.memory_space<hbm>>
      %dma_start3A_872 = arith.constant 0 : i32
      %dma_start3A_873 = tpu.memref_slice %dma_start3A_871[%dma_start3A_872] : memref<100096xf32, #tpu.memory_space<hbm>> -> memref<100096xf32, #tpu.memory_space<hbm>>
      tpu.enqueue_indirect_dma source(%dma_start3A_873 : memref<100096xf32, #tpu.memory_space<hbm>>) target(%dma_start3A_867 : memref<128xf32, #tpu.memory_space<vmem>>) offsets(%dma_start3A_870 : memref<128xi32, #tpu.memory_space<vmem>>) semaphore(%arg7 : memref<!tpu.dma_semaphore, #tpu.memory_space<semaphore_mem>>)
      %mul3A_874 = arith.constant 16 : i32
      %mul3A_875 = arith.muli %scan3A_14, %mul3A_874 : i32
      %add3A_876 = arith.constant 15 : i32
      %add3A_877 = arith.addi %mul3A_875, %add3A_876 : i32
      %jit3A_878 = arith.constant 8 : i32
      %div3A_879 = arith.divsi %add3A_877, %jit3A_878 : i32
      %sign3A_880 = arith.constant 0 : i32
      %sign3A_881 = arith.cmpi sgt, %add3A_877, %sign3A_880 : i32
      %sign3A_882 = arith.extui %sign3A_881 : i1 to i32
      %sign3A_883 = arith.constant 0 : i32
      %sign3A_884 = arith.cmpi slt, %add3A_877, %sign3A_883 : i32
      %sign3A_885 = arith.extui %sign3A_884 : i1 to i32
      %sign3A_886 = arith.subi %sign3A_882, %sign3A_885 : i32
      %sign3A_887 = arith.constant 0 : i32
      %sign3A_888 = arith.cmpi sgt, %jit3A_878, %sign3A_887 : i32
      %sign3A_889 = arith.extui %sign3A_888 : i1 to i32
      %sign3A_890 = arith.constant 0 : i32
      %sign3A_891 = arith.cmpi slt, %jit3A_878, %sign3A_890 : i32
      %sign3A_892 = arith.extui %sign3A_891 : i1 to i32
      %sign3A_893 = arith.subi %sign3A_889, %sign3A_892 : i32
      %ne3A_894 = arith.cmpi ne, %sign3A_886, %sign3A_893 : i32
      %rem3A_895 = arith.remsi %add3A_877, %jit3A_878 : i32
      %ne3A_896 = arith.constant 0 : i32
      %ne3A_897 = arith.cmpi ne, %rem3A_895, %ne3A_896 : i32
      %and3A_898 = arith.andi %ne3A_894, %ne3A_897 : i1
      %sub3A_899 = arith.constant 1 : i32
      %sub3A_900 = arith.subi %div3A_879, %sub3A_899 : i32
      %select_n3A_901 = arith.select %and3A_898, %sub3A_900, %div3A_879 : i32
      %mul3A_902 = arith.constant 800768 : i32
      %mul3A_903 = arith.muli %select_n3A_901, %mul3A_902 : i32
      %jit3A_904 = arith.constant 8 : i32
      %eq3A_905 = arith.constant 0 : i32
      %eq3A_906 = arith.cmpi eq, %jit3A_904, %eq3A_905 : i32
      %jit3A_907 = arith.constant 1 : i32
      %select_n3A_908 = arith.select %eq3A_906, %jit3A_907, %jit3A_904 : i32
      %rem3A_909 = arith.remsi %add3A_877, %select_n3A_908 : i32
      %ne3A_910 = arith.constant 0 : i32
      %ne3A_911 = arith.cmpi ne, %rem3A_909, %ne3A_910 : i32
      %lt3A_912 = arith.constant 0 : i32
      %lt3A_913 = arith.cmpi slt, %rem3A_909, %lt3A_912 : i32
      %lt3A_914 = arith.constant 0 : i32
      %lt3A_915 = arith.cmpi slt, %select_n3A_908, %lt3A_914 : i32
      %ne3A_916 = arith.xori %lt3A_913, %lt3A_915 : i1
      %and3A_917 = arith.andi %ne3A_916, %ne3A_911 : i1
      %add3A_918 = arith.addi %rem3A_909, %select_n3A_908 : i32
      %select_n3A_919 = arith.select %and3A_917, %add3A_918, %rem3A_909 : i32
      %mul3A_920 = arith.constant 100096 : i32
      %mul3A_921 = arith.muli %select_n3A_919, %mul3A_920 : i32
      %add3A_922 = arith.addi %mul3A_903, %mul3A_921 : i32
      %dma_start3A_923 = arith.constant 0 : i32
      %dma_start3A_924 = tpu.memref_slice %arg6[%add3A_877, %dma_start3A_923] : memref<208x128xf32, #tpu.memory_space<vmem>> -> memref<1x128xf32, #tpu.memory_space<vmem>>
      %dma_start3A_925 = tpu.memref_squeeze %dma_start3A_924 : memref<1x128xf32, #tpu.memory_space<vmem>> -> memref<128xf32, #tpu.memory_space<vmem>>
      %dma_start3A_926 = arith.constant 0 : i32
      %dma_start3A_927 = tpu.memref_slice %arg5[%scan3A_14, %dma_start3A_926] : memref<13x128xi32, #tpu.memory_space<vmem>> -> memref<1x128xi32, #tpu.memory_space<vmem>>
      %dma_start3A_928 = tpu.memref_squeeze %dma_start3A_927 : memref<1x128xi32, #tpu.memory_space<vmem>> -> memref<128xi32, #tpu.memory_space<vmem>>
      %dma_start3A_929 = tpu.memref_slice %arg2[%add3A_922] : memref<20819968xf32, #tpu.memory_space<hbm>> -> memref<100096xf32, #tpu.memory_space<hbm>>
      %dma_start3A_930 = arith.constant 0 : i32
      %dma_start3A_931 = tpu.memref_slice %dma_start3A_929[%dma_start3A_930] : memref<100096xf32, #tpu.memory_space<hbm>> -> memref<100096xf32, #tpu.memory_space<hbm>>
      tpu.enqueue_indirect_dma source(%dma_start3A_931 : memref<100096xf32, #tpu.memory_space<hbm>>) target(%dma_start3A_925 : memref<128xf32, #tpu.memory_space<vmem>>) offsets(%dma_start3A_928 : memref<128xi32, #tpu.memory_space<vmem>>) semaphore(%arg7 : memref<!tpu.dma_semaphore, #tpu.memory_space<semaphore_mem>>)
    }
    %scan3A_7 = arith.constant 13 : i32
    %scan3A_8 = arith.constant 0 : i32
    %scan3A_9 = arith.constant 0 : i32
    %scan3A_10 = arith.constant 13 : i32
    %scan3A_11 = arith.addi %scan3A_9, %scan3A_10 : i32
    %scan3A_12 = arith.constant 1 : i32
    scf.for %scan3A_14 = %scan3A_9 to %scan3A_11 step %scan3A_12  : i32 {
      %mul3A_15 = arith.constant 16 : i32
      %mul3A_16 = arith.muli %scan3A_14, %mul3A_15 : i32
      %add3A_17 = arith.constant 0 : i32
      %add3A_18 = arith.addi %mul3A_16, %add3A_17 : i32
      %jit3A = arith.constant 8 : i32
      %div3A = arith.divsi %add3A_18, %jit3A : i32
      %sign3A = arith.constant 0 : i32
      %sign3A_19 = arith.cmpi sgt, %add3A_18, %sign3A : i32
      %sign3A_20 = arith.extui %sign3A_19 : i1 to i32
      %sign3A_21 = arith.constant 0 : i32
      %sign3A_22 = arith.cmpi slt, %add3A_18, %sign3A_21 : i32
      %sign3A_23 = arith.extui %sign3A_22 : i1 to i32
      %sign3A_24 = arith.subi %sign3A_20, %sign3A_23 : i32
      %sign3A_25 = arith.constant 0 : i32
      %sign3A_26 = arith.cmpi sgt, %jit3A, %sign3A_25 : i32
      %sign3A_27 = arith.extui %sign3A_26 : i1 to i32
      %sign3A_28 = arith.constant 0 : i32
      %sign3A_29 = arith.cmpi slt, %jit3A, %sign3A_28 : i32
      %sign3A_30 = arith.extui %sign3A_29 : i1 to i32
      %sign3A_31 = arith.subi %sign3A_27, %sign3A_30 : i32
      %ne3A = arith.cmpi ne, %sign3A_24, %sign3A_31 : i32
      %rem3A = arith.remsi %add3A_18, %jit3A : i32
      %ne3A_32 = arith.constant 0 : i32
      %ne3A_33 = arith.cmpi ne, %rem3A, %ne3A_32 : i32
      %and3A = arith.andi %ne3A, %ne3A_33 : i1
      %sub3A = arith.constant 1 : i32
      %sub3A_34 = arith.subi %div3A, %sub3A : i32
      %select_n3A = arith.select %and3A, %sub3A_34, %div3A : i32
      %mul3A_35 = arith.constant 800768 : i32
      %mul3A_36 = arith.muli %select_n3A, %mul3A_35 : i32
      %jit3A_37 = arith.constant 8 : i32
      %eq3A = arith.constant 0 : i32
      %eq3A_38 = arith.cmpi eq, %jit3A_37, %eq3A : i32
      %jit3A_39 = arith.constant 1 : i32
      %select_n3A_40 = arith.select %eq3A_38, %jit3A_39, %jit3A_37 : i32
      %rem3A_41 = arith.remsi %add3A_18, %select_n3A_40 : i32
      %ne3A_42 = arith.constant 0 : i32
      %ne3A_43 = arith.cmpi ne, %rem3A_41, %ne3A_42 : i32
      %lt3A = arith.constant 0 : i32
      %lt3A_44 = arith.cmpi slt, %rem3A_41, %lt3A : i32
      %lt3A_45 = arith.constant 0 : i32
      %lt3A_46 = arith.cmpi slt, %select_n3A_40, %lt3A_45 : i32
      %ne3A_47 = arith.xori %lt3A_44, %lt3A_46 : i1
      %and3A_48 = arith.andi %ne3A_47, %ne3A_43 : i1
      %add3A_49 = arith.addi %rem3A_41, %select_n3A_40 : i32
      %select_n3A_50 = arith.select %and3A_48, %add3A_49, %rem3A_41 : i32
      %mul3A_51 = arith.constant 100096 : i32
      %mul3A_52 = arith.muli %select_n3A_50, %mul3A_51 : i32
      %add3A_53 = arith.addi %mul3A_36, %mul3A_52 : i32
      %dma_wait3A = arith.constant 0 : i32
      %dma_wait3A_54 = tpu.memref_slice %arg6[%add3A_18, %dma_wait3A] : memref<208x128xf32, #tpu.memory_space<vmem>> -> memref<1x128xf32, #tpu.memory_space<vmem>>
      %dma_wait3A_55 = tpu.memref_squeeze %dma_wait3A_54 : memref<1x128xf32, #tpu.memory_space<vmem>> -> memref<128xf32, #tpu.memory_space<vmem>>
      %dma_wait3A_56 = arith.constant 0 : i32
      %dma_wait3A_57 = tpu.memref_slice %arg5[%scan3A_14, %dma_wait3A_56] : memref<13x128xi32, #tpu.memory_space<vmem>> -> memref<1x128xi32, #tpu.memory_space<vmem>>
      %dma_wait3A_58 = tpu.memref_squeeze %dma_wait3A_57 : memref<1x128xi32, #tpu.memory_space<vmem>> -> memref<128xi32, #tpu.memory_space<vmem>>
      %dma_wait3A_59 = tpu.memref_slice %arg2[%add3A_53] : memref<20819968xf32, #tpu.memory_space<hbm>> -> memref<100096xf32, #tpu.memory_space<hbm>>
      %dma_wait3A_60 = arith.constant 0 : i32
      %dma_wait3A_61 = tpu.memref_slice %dma_wait3A_59[%dma_wait3A_60] : memref<100096xf32, #tpu.memory_space<hbm>> -> memref<100096xf32, #tpu.memory_space<hbm>>
      tpu.wait_indirect_dma semaphore(%arg7 : memref<!tpu.dma_semaphore, #tpu.memory_space<semaphore_mem>>) src(%dma_wait3A_61 : memref<100096xf32, #tpu.memory_space<hbm>>) dst(%dma_wait3A_55 : memref<128xf32, #tpu.memory_space<vmem>>)
      %mul3A_62 = arith.constant 16 : i32
      %mul3A_63 = arith.muli %scan3A_14, %mul3A_62 : i32
      %add3A_64 = arith.constant 1 : i32
      %add3A_65 = arith.addi %mul3A_63, %add3A_64 : i32
      %jit3A_66 = arith.constant 8 : i32
      %div3A_67 = arith.divsi %add3A_65, %jit3A_66 : i32
      %sign3A_68 = arith.constant 0 : i32
      %sign3A_69 = arith.cmpi sgt, %add3A_65, %sign3A_68 : i32
      %sign3A_70 = arith.extui %sign3A_69 : i1 to i32
      %sign3A_71 = arith.constant 0 : i32
      %sign3A_72 = arith.cmpi slt, %add3A_65, %sign3A_71 : i32
      %sign3A_73 = arith.extui %sign3A_72 : i1 to i32
      %sign3A_74 = arith.subi %sign3A_70, %sign3A_73 : i32
      %sign3A_75 = arith.constant 0 : i32
      %sign3A_76 = arith.cmpi sgt, %jit3A_66, %sign3A_75 : i32
      %sign3A_77 = arith.extui %sign3A_76 : i1 to i32
      %sign3A_78 = arith.constant 0 : i32
      %sign3A_79 = arith.cmpi slt, %jit3A_66, %sign3A_78 : i32
      %sign3A_80 = arith.extui %sign3A_79 : i1 to i32
      %sign3A_81 = arith.subi %sign3A_77, %sign3A_80 : i32
      %ne3A_82 = arith.cmpi ne, %sign3A_74, %sign3A_81 : i32
      %rem3A_83 = arith.remsi %add3A_65, %jit3A_66 : i32
      %ne3A_84 = arith.constant 0 : i32
      %ne3A_85 = arith.cmpi ne, %rem3A_83, %ne3A_84 : i32
      %and3A_86 = arith.andi %ne3A_82, %ne3A_85 : i1
      %sub3A_87 = arith.constant 1 : i32
      %sub3A_88 = arith.subi %div3A_67, %sub3A_87 : i32
      %select_n3A_89 = arith.select %and3A_86, %sub3A_88, %div3A_67 : i32
      %mul3A_90 = arith.constant 800768 : i32
      %mul3A_91 = arith.muli %select_n3A_89, %mul3A_90 : i32
      %jit3A_92 = arith.constant 8 : i32
      %eq3A_93 = arith.constant 0 : i32
      %eq3A_94 = arith.cmpi eq, %jit3A_92, %eq3A_93 : i32
      %jit3A_95 = arith.constant 1 : i32
      %select_n3A_96 = arith.select %eq3A_94, %jit3A_95, %jit3A_92 : i32
      %rem3A_97 = arith.remsi %add3A_65, %select_n3A_96 : i32
      %ne3A_98 = arith.constant 0 : i32
      %ne3A_99 = arith.cmpi ne, %rem3A_97, %ne3A_98 : i32
      %lt3A_100 = arith.constant 0 : i32
      %lt3A_101 = arith.cmpi slt, %rem3A_97, %lt3A_100 : i32
      %lt3A_102 = arith.constant 0 : i32
      %lt3A_103 = arith.cmpi slt, %select_n3A_96, %lt3A_102 : i32
      %ne3A_104 = arith.xori %lt3A_101, %lt3A_103 : i1
      %and3A_105 = arith.andi %ne3A_104, %ne3A_99 : i1
      %add3A_106 = arith.addi %rem3A_97, %select_n3A_96 : i32
      %select_n3A_107 = arith.select %and3A_105, %add3A_106, %rem3A_97 : i32
      %mul3A_108 = arith.constant 100096 : i32
      %mul3A_109 = arith.muli %select_n3A_107, %mul3A_108 : i32
      %add3A_110 = arith.addi %mul3A_91, %mul3A_109 : i32
      %dma_wait3A_111 = arith.constant 0 : i32
      %dma_wait3A_112 = tpu.memref_slice %arg6[%add3A_65, %dma_wait3A_111] : memref<208x128xf32, #tpu.memory_space<vmem>> -> memref<1x128xf32, #tpu.memory_space<vmem>>
      %dma_wait3A_113 = tpu.memref_squeeze %dma_wait3A_112 : memref<1x128xf32, #tpu.memory_space<vmem>> -> memref<128xf32, #tpu.memory_space<vmem>>
      %dma_wait3A_114 = arith.constant 0 : i32
      %dma_wait3A_115 = tpu.memref_slice %arg5[%scan3A_14, %dma_wait3A_114] : memref<13x128xi32, #tpu.memory_space<vmem>> -> memref<1x128xi32, #tpu.memory_space<vmem>>
      %dma_wait3A_116 = tpu.memref_squeeze %dma_wait3A_115 : memref<1x128xi32, #tpu.memory_space<vmem>> -> memref<128xi32, #tpu.memory_space<vmem>>
      %dma_wait3A_117 = tpu.memref_slice %arg2[%add3A_110] : memref<20819968xf32, #tpu.memory_space<hbm>> -> memref<100096xf32, #tpu.memory_space<hbm>>
      %dma_wait3A_118 = arith.constant 0 : i32
      %dma_wait3A_119 = tpu.memref_slice %dma_wait3A_117[%dma_wait3A_118] : memref<100096xf32, #tpu.memory_space<hbm>> -> memref<100096xf32, #tpu.memory_space<hbm>>
      tpu.wait_indirect_dma semaphore(%arg7 : memref<!tpu.dma_semaphore, #tpu.memory_space<semaphore_mem>>) src(%dma_wait3A_119 : memref<100096xf32, #tpu.memory_space<hbm>>) dst(%dma_wait3A_113 : memref<128xf32, #tpu.memory_space<vmem>>)
      %mul3A_120 = arith.constant 16 : i32
      %mul3A_121 = arith.muli %scan3A_14, %mul3A_120 : i32
      %add3A_122 = arith.constant 2 : i32
      %add3A_123 = arith.addi %mul3A_121, %add3A_122 : i32
      %jit3A_124 = arith.constant 8 : i32
      %div3A_125 = arith.divsi %add3A_123, %jit3A_124 : i32
      %sign3A_126 = arith.constant 0 : i32
      %sign3A_127 = arith.cmpi sgt, %add3A_123, %sign3A_126 : i32
      %sign3A_128 = arith.extui %sign3A_127 : i1 to i32
      %sign3A_129 = arith.constant 0 : i32
      %sign3A_130 = arith.cmpi slt, %add3A_123, %sign3A_129 : i32
      %sign3A_131 = arith.extui %sign3A_130 : i1 to i32
      %sign3A_132 = arith.subi %sign3A_128, %sign3A_131 : i32
      %sign3A_133 = arith.constant 0 : i32
      %sign3A_134 = arith.cmpi sgt, %jit3A_124, %sign3A_133 : i32
      %sign3A_135 = arith.extui %sign3A_134 : i1 to i32
      %sign3A_136 = arith.constant 0 : i32
      %sign3A_137 = arith.cmpi slt, %jit3A_124, %sign3A_136 : i32
      %sign3A_138 = arith.extui %sign3A_137 : i1 to i32
      %sign3A_139 = arith.subi %sign3A_135, %sign3A_138 : i32
      %ne3A_140 = arith.cmpi ne, %sign3A_132, %sign3A_139 : i32
      %rem3A_141 = arith.remsi %add3A_123, %jit3A_124 : i32
      %ne3A_142 = arith.constant 0 : i32
      %ne3A_143 = arith.cmpi ne, %rem3A_141, %ne3A_142 : i32
      %and3A_144 = arith.andi %ne3A_140, %ne3A_143 : i1
      %sub3A_145 = arith.constant 1 : i32
      %sub3A_146 = arith.subi %div3A_125, %sub3A_145 : i32
      %select_n3A_147 = arith.select %and3A_144, %sub3A_146, %div3A_125 : i32
      %mul3A_148 = arith.constant 800768 : i32
      %mul3A_149 = arith.muli %select_n3A_147, %mul3A_148 : i32
      %jit3A_150 = arith.constant 8 : i32
      %eq3A_151 = arith.constant 0 : i32
      %eq3A_152 = arith.cmpi eq, %jit3A_150, %eq3A_151 : i32
      %jit3A_153 = arith.constant 1 : i32
      %select_n3A_154 = arith.select %eq3A_152, %jit3A_153, %jit3A_150 : i32
      %rem3A_155 = arith.remsi %add3A_123, %select_n3A_154 : i32
      %ne3A_156 = arith.constant 0 : i32
      %ne3A_157 = arith.cmpi ne, %rem3A_155, %ne3A_156 : i32
      %lt3A_158 = arith.constant 0 : i32
      %lt3A_159 = arith.cmpi slt, %rem3A_155, %lt3A_158 : i32
      %lt3A_160 = arith.constant 0 : i32
      %lt3A_161 = arith.cmpi slt, %select_n3A_154, %lt3A_160 : i32
      %ne3A_162 = arith.xori %lt3A_159, %lt3A_161 : i1
      %and3A_163 = arith.andi %ne3A_162, %ne3A_157 : i1
      %add3A_164 = arith.addi %rem3A_155, %select_n3A_154 : i32
      %select_n3A_165 = arith.select %and3A_163, %add3A_164, %rem3A_155 : i32
      %mul3A_166 = arith.constant 100096 : i32
      %mul3A_167 = arith.muli %select_n3A_165, %mul3A_166 : i32
      %add3A_168 = arith.addi %mul3A_149, %mul3A_167 : i32
      %dma_wait3A_169 = arith.constant 0 : i32
      %dma_wait3A_170 = tpu.memref_slice %arg6[%add3A_123, %dma_wait3A_169] : memref<208x128xf32, #tpu.memory_space<vmem>> -> memref<1x128xf32, #tpu.memory_space<vmem>>
      %dma_wait3A_171 = tpu.memref_squeeze %dma_wait3A_170 : memref<1x128xf32, #tpu.memory_space<vmem>> -> memref<128xf32, #tpu.memory_space<vmem>>
      %dma_wait3A_172 = arith.constant 0 : i32
      %dma_wait3A_173 = tpu.memref_slice %arg5[%scan3A_14, %dma_wait3A_172] : memref<13x128xi32, #tpu.memory_space<vmem>> -> memref<1x128xi32, #tpu.memory_space<vmem>>
      %dma_wait3A_174 = tpu.memref_squeeze %dma_wait3A_173 : memref<1x128xi32, #tpu.memory_space<vmem>> -> memref<128xi32, #tpu.memory_space<vmem>>
      %dma_wait3A_175 = tpu.memref_slice %arg2[%add3A_168] : memref<20819968xf32, #tpu.memory_space<hbm>> -> memref<100096xf32, #tpu.memory_space<hbm>>
      %dma_wait3A_176 = arith.constant 0 : i32
      %dma_wait3A_177 = tpu.memref_slice %dma_wait3A_175[%dma_wait3A_176] : memref<100096xf32, #tpu.memory_space<hbm>> -> memref<100096xf32, #tpu.memory_space<hbm>>
      tpu.wait_indirect_dma semaphore(%arg7 : memref<!tpu.dma_semaphore, #tpu.memory_space<semaphore_mem>>) src(%dma_wait3A_177 : memref<100096xf32, #tpu.memory_space<hbm>>) dst(%dma_wait3A_171 : memref<128xf32, #tpu.memory_space<vmem>>)
      %mul3A_178 = arith.constant 16 : i32
      %mul3A_179 = arith.muli %scan3A_14, %mul3A_178 : i32
      %add3A_180 = arith.constant 3 : i32
      %add3A_181 = arith.addi %mul3A_179, %add3A_180 : i32
      %jit3A_182 = arith.constant 8 : i32
      %div3A_183 = arith.divsi %add3A_181, %jit3A_182 : i32
      %sign3A_184 = arith.constant 0 : i32
      %sign3A_185 = arith.cmpi sgt, %add3A_181, %sign3A_184 : i32
      %sign3A_186 = arith.extui %sign3A_185 : i1 to i32
      %sign3A_187 = arith.constant 0 : i32
      %sign3A_188 = arith.cmpi slt, %add3A_181, %sign3A_187 : i32
      %sign3A_189 = arith.extui %sign3A_188 : i1 to i32
      %sign3A_190 = arith.subi %sign3A_186, %sign3A_189 : i32
      %sign3A_191 = arith.constant 0 : i32
      %sign3A_192 = arith.cmpi sgt, %jit3A_182, %sign3A_191 : i32
      %sign3A_193 = arith.extui %sign3A_192 : i1 to i32
      %sign3A_194 = arith.constant 0 : i32
      %sign3A_195 = arith.cmpi slt, %jit3A_182, %sign3A_194 : i32
      %sign3A_196 = arith.extui %sign3A_195 : i1 to i32
      %sign3A_197 = arith.subi %sign3A_193, %sign3A_196 : i32
      %ne3A_198 = arith.cmpi ne, %sign3A_190, %sign3A_197 : i32
      %rem3A_199 = arith.remsi %add3A_181, %jit3A_182 : i32
      %ne3A_200 = arith.constant 0 : i32
      %ne3A_201 = arith.cmpi ne, %rem3A_199, %ne3A_200 : i32
      %and3A_202 = arith.andi %ne3A_198, %ne3A_201 : i1
      %sub3A_203 = arith.constant 1 : i32
      %sub3A_204 = arith.subi %div3A_183, %sub3A_203 : i32
      %select_n3A_205 = arith.select %and3A_202, %sub3A_204, %div3A_183 : i32
      %mul3A_206 = arith.constant 800768 : i32
      %mul3A_207 = arith.muli %select_n3A_205, %mul3A_206 : i32
      %jit3A_208 = arith.constant 8 : i32
      %eq3A_209 = arith.constant 0 : i32
      %eq3A_210 = arith.cmpi eq, %jit3A_208, %eq3A_209 : i32
      %jit3A_211 = arith.constant 1 : i32
      %select_n3A_212 = arith.select %eq3A_210, %jit3A_211, %jit3A_208 : i32
      %rem3A_213 = arith.remsi %add3A_181, %select_n3A_212 : i32
      %ne3A_214 = arith.constant 0 : i32
      %ne3A_215 = arith.cmpi ne, %rem3A_213, %ne3A_214 : i32
      %lt3A_216 = arith.constant 0 : i32
      %lt3A_217 = arith.cmpi slt, %rem3A_213, %lt3A_216 : i32
      %lt3A_218 = arith.constant 0 : i32
      %lt3A_219 = arith.cmpi slt, %select_n3A_212, %lt3A_218 : i32
      %ne3A_220 = arith.xori %lt3A_217, %lt3A_219 : i1
      %and3A_221 = arith.andi %ne3A_220, %ne3A_215 : i1
      %add3A_222 = arith.addi %rem3A_213, %select_n3A_212 : i32
      %select_n3A_223 = arith.select %and3A_221, %add3A_222, %rem3A_213 : i32
      %mul3A_224 = arith.constant 100096 : i32
      %mul3A_225 = arith.muli %select_n3A_223, %mul3A_224 : i32
      %add3A_226 = arith.addi %mul3A_207, %mul3A_225 : i32
      %dma_wait3A_227 = arith.constant 0 : i32
      %dma_wait3A_228 = tpu.memref_slice %arg6[%add3A_181, %dma_wait3A_227] : memref<208x128xf32, #tpu.memory_space<vmem>> -> memref<1x128xf32, #tpu.memory_space<vmem>>
      %dma_wait3A_229 = tpu.memref_squeeze %dma_wait3A_228 : memref<1x128xf32, #tpu.memory_space<vmem>> -> memref<128xf32, #tpu.memory_space<vmem>>
      %dma_wait3A_230 = arith.constant 0 : i32
      %dma_wait3A_231 = tpu.memref_slice %arg5[%scan3A_14, %dma_wait3A_230] : memref<13x128xi32, #tpu.memory_space<vmem>> -> memref<1x128xi32, #tpu.memory_space<vmem>>
      %dma_wait3A_232 = tpu.memref_squeeze %dma_wait3A_231 : memref<1x128xi32, #tpu.memory_space<vmem>> -> memref<128xi32, #tpu.memory_space<vmem>>
      %dma_wait3A_233 = tpu.memref_slice %arg2[%add3A_226] : memref<20819968xf32, #tpu.memory_space<hbm>> -> memref<100096xf32, #tpu.memory_space<hbm>>
      %dma_wait3A_234 = arith.constant 0 : i32
      %dma_wait3A_235 = tpu.memref_slice %dma_wait3A_233[%dma_wait3A_234] : memref<100096xf32, #tpu.memory_space<hbm>> -> memref<100096xf32, #tpu.memory_space<hbm>>
      tpu.wait_indirect_dma semaphore(%arg7 : memref<!tpu.dma_semaphore, #tpu.memory_space<semaphore_mem>>) src(%dma_wait3A_235 : memref<100096xf32, #tpu.memory_space<hbm>>) dst(%dma_wait3A_229 : memref<128xf32, #tpu.memory_space<vmem>>)
      %mul3A_236 = arith.constant 16 : i32
      %mul3A_237 = arith.muli %scan3A_14, %mul3A_236 : i32
      %add3A_238 = arith.constant 4 : i32
      %add3A_239 = arith.addi %mul3A_237, %add3A_238 : i32
      %jit3A_240 = arith.constant 8 : i32
      %div3A_241 = arith.divsi %add3A_239, %jit3A_240 : i32
      %sign3A_242 = arith.constant 0 : i32
      %sign3A_243 = arith.cmpi sgt, %add3A_239, %sign3A_242 : i32
      %sign3A_244 = arith.extui %sign3A_243 : i1 to i32
      %sign3A_245 = arith.constant 0 : i32
      %sign3A_246 = arith.cmpi slt, %add3A_239, %sign3A_245 : i32
      %sign3A_247 = arith.extui %sign3A_246 : i1 to i32
      %sign3A_248 = arith.subi %sign3A_244, %sign3A_247 : i32
      %sign3A_249 = arith.constant 0 : i32
      %sign3A_250 = arith.cmpi sgt, %jit3A_240, %sign3A_249 : i32
      %sign3A_251 = arith.extui %sign3A_250 : i1 to i32
      %sign3A_252 = arith.constant 0 : i32
      %sign3A_253 = arith.cmpi slt, %jit3A_240, %sign3A_252 : i32
      %sign3A_254 = arith.extui %sign3A_253 : i1 to i32
      %sign3A_255 = arith.subi %sign3A_251, %sign3A_254 : i32
      %ne3A_256 = arith.cmpi ne, %sign3A_248, %sign3A_255 : i32
      %rem3A_257 = arith.remsi %add3A_239, %jit3A_240 : i32
      %ne3A_258 = arith.constant 0 : i32
      %ne3A_259 = arith.cmpi ne, %rem3A_257, %ne3A_258 : i32
      %and3A_260 = arith.andi %ne3A_256, %ne3A_259 : i1
      %sub3A_261 = arith.constant 1 : i32
      %sub3A_262 = arith.subi %div3A_241, %sub3A_261 : i32
      %select_n3A_263 = arith.select %and3A_260, %sub3A_262, %div3A_241 : i32
      %mul3A_264 = arith.constant 800768 : i32
      %mul3A_265 = arith.muli %select_n3A_263, %mul3A_264 : i32
      %jit3A_266 = arith.constant 8 : i32
      %eq3A_267 = arith.constant 0 : i32
      %eq3A_268 = arith.cmpi eq, %jit3A_266, %eq3A_267 : i32
      %jit3A_269 = arith.constant 1 : i32
      %select_n3A_270 = arith.select %eq3A_268, %jit3A_269, %jit3A_266 : i32
      %rem3A_271 = arith.remsi %add3A_239, %select_n3A_270 : i32
      %ne3A_272 = arith.constant 0 : i32
      %ne3A_273 = arith.cmpi ne, %rem3A_271, %ne3A_272 : i32
      %lt3A_274 = arith.constant 0 : i32
      %lt3A_275 = arith.cmpi slt, %rem3A_271, %lt3A_274 : i32
      %lt3A_276 = arith.constant 0 : i32
      %lt3A_277 = arith.cmpi slt, %select_n3A_270, %lt3A_276 : i32
      %ne3A_278 = arith.xori %lt3A_275, %lt3A_277 : i1
      %and3A_279 = arith.andi %ne3A_278, %ne3A_273 : i1
      %add3A_280 = arith.addi %rem3A_271, %select_n3A_270 : i32
      %select_n3A_281 = arith.select %and3A_279, %add3A_280, %rem3A_271 : i32
      %mul3A_282 = arith.constant 100096 : i32
      %mul3A_283 = arith.muli %select_n3A_281, %mul3A_282 : i32
      %add3A_284 = arith.addi %mul3A_265, %mul3A_283 : i32
      %dma_wait3A_285 = arith.constant 0 : i32
      %dma_wait3A_286 = tpu.memref_slice %arg6[%add3A_239, %dma_wait3A_285] : memref<208x128xf32, #tpu.memory_space<vmem>> -> memref<1x128xf32, #tpu.memory_space<vmem>>
      %dma_wait3A_287 = tpu.memref_squeeze %dma_wait3A_286 : memref<1x128xf32, #tpu.memory_space<vmem>> -> memref<128xf32, #tpu.memory_space<vmem>>
      %dma_wait3A_288 = arith.constant 0 : i32
      %dma_wait3A_289 = tpu.memref_slice %arg5[%scan3A_14, %dma_wait3A_288] : memref<13x128xi32, #tpu.memory_space<vmem>> -> memref<1x128xi32, #tpu.memory_space<vmem>>
      %dma_wait3A_290 = tpu.memref_squeeze %dma_wait3A_289 : memref<1x128xi32, #tpu.memory_space<vmem>> -> memref<128xi32, #tpu.memory_space<vmem>>
      %dma_wait3A_291 = tpu.memref_slice %arg2[%add3A_284] : memref<20819968xf32, #tpu.memory_space<hbm>> -> memref<100096xf32, #tpu.memory_space<hbm>>
      %dma_wait3A_292 = arith.constant 0 : i32
      %dma_wait3A_293 = tpu.memref_slice %dma_wait3A_291[%dma_wait3A_292] : memref<100096xf32, #tpu.memory_space<hbm>> -> memref<100096xf32, #tpu.memory_space<hbm>>
      tpu.wait_indirect_dma semaphore(%arg7 : memref<!tpu.dma_semaphore, #tpu.memory_space<semaphore_mem>>) src(%dma_wait3A_293 : memref<100096xf32, #tpu.memory_space<hbm>>) dst(%dma_wait3A_287 : memref<128xf32, #tpu.memory_space<vmem>>)
      %mul3A_294 = arith.constant 16 : i32
      %mul3A_295 = arith.muli %scan3A_14, %mul3A_294 : i32
      %add3A_296 = arith.constant 5 : i32
      %add3A_297 = arith.addi %mul3A_295, %add3A_296 : i32
      %jit3A_298 = arith.constant 8 : i32
      %div3A_299 = arith.divsi %add3A_297, %jit3A_298 : i32
      %sign3A_300 = arith.constant 0 : i32
      %sign3A_301 = arith.cmpi sgt, %add3A_297, %sign3A_300 : i32
      %sign3A_302 = arith.extui %sign3A_301 : i1 to i32
      %sign3A_303 = arith.constant 0 : i32
      %sign3A_304 = arith.cmpi slt, %add3A_297, %sign3A_303 : i32
      %sign3A_305 = arith.extui %sign3A_304 : i1 to i32
      %sign3A_306 = arith.subi %sign3A_302, %sign3A_305 : i32
      %sign3A_307 = arith.constant 0 : i32
      %sign3A_308 = arith.cmpi sgt, %jit3A_298, %sign3A_307 : i32
      %sign3A_309 = arith.extui %sign3A_308 : i1 to i32
      %sign3A_310 = arith.constant 0 : i32
      %sign3A_311 = arith.cmpi slt, %jit3A_298, %sign3A_310 : i32
      %sign3A_312 = arith.extui %sign3A_311 : i1 to i32
      %sign3A_313 = arith.subi %sign3A_309, %sign3A_312 : i32
      %ne3A_314 = arith.cmpi ne, %sign3A_306, %sign3A_313 : i32
      %rem3A_315 = arith.remsi %add3A_297, %jit3A_298 : i32
      %ne3A_316 = arith.constant 0 : i32
      %ne3A_317 = arith.cmpi ne, %rem3A_315, %ne3A_316 : i32
      %and3A_318 = arith.andi %ne3A_314, %ne3A_317 : i1
      %sub3A_319 = arith.constant 1 : i32
      %sub3A_320 = arith.subi %div3A_299, %sub3A_319 : i32
      %select_n3A_321 = arith.select %and3A_318, %sub3A_320, %div3A_299 : i32
      %mul3A_322 = arith.constant 800768 : i32
      %mul3A_323 = arith.muli %select_n3A_321, %mul3A_322 : i32
      %jit3A_324 = arith.constant 8 : i32
      %eq3A_325 = arith.constant 0 : i32
      %eq3A_326 = arith.cmpi eq, %jit3A_324, %eq3A_325 : i32
      %jit3A_327 = arith.constant 1 : i32
      %select_n3A_328 = arith.select %eq3A_326, %jit3A_327, %jit3A_324 : i32
      %rem3A_329 = arith.remsi %add3A_297, %select_n3A_328 : i32
      %ne3A_330 = arith.constant 0 : i32
      %ne3A_331 = arith.cmpi ne, %rem3A_329, %ne3A_330 : i32
      %lt3A_332 = arith.constant 0 : i32
      %lt3A_333 = arith.cmpi slt, %rem3A_329, %lt3A_332 : i32
      %lt3A_334 = arith.constant 0 : i32
      %lt3A_335 = arith.cmpi slt, %select_n3A_328, %lt3A_334 : i32
      %ne3A_336 = arith.xori %lt3A_333, %lt3A_335 : i1
      %and3A_337 = arith.andi %ne3A_336, %ne3A_331 : i1
      %add3A_338 = arith.addi %rem3A_329, %select_n3A_328 : i32
      %select_n3A_339 = arith.select %and3A_337, %add3A_338, %rem3A_329 : i32
      %mul3A_340 = arith.constant 100096 : i32
      %mul3A_341 = arith.muli %select_n3A_339, %mul3A_340 : i32
      %add3A_342 = arith.addi %mul3A_323, %mul3A_341 : i32
      %dma_wait3A_343 = arith.constant 0 : i32
      %dma_wait3A_344 = tpu.memref_slice %arg6[%add3A_297, %dma_wait3A_343] : memref<208x128xf32, #tpu.memory_space<vmem>> -> memref<1x128xf32, #tpu.memory_space<vmem>>
      %dma_wait3A_345 = tpu.memref_squeeze %dma_wait3A_344 : memref<1x128xf32, #tpu.memory_space<vmem>> -> memref<128xf32, #tpu.memory_space<vmem>>
      %dma_wait3A_346 = arith.constant 0 : i32
      %dma_wait3A_347 = tpu.memref_slice %arg5[%scan3A_14, %dma_wait3A_346] : memref<13x128xi32, #tpu.memory_space<vmem>> -> memref<1x128xi32, #tpu.memory_space<vmem>>
      %dma_wait3A_348 = tpu.memref_squeeze %dma_wait3A_347 : memref<1x128xi32, #tpu.memory_space<vmem>> -> memref<128xi32, #tpu.memory_space<vmem>>
      %dma_wait3A_349 = tpu.memref_slice %arg2[%add3A_342] : memref<20819968xf32, #tpu.memory_space<hbm>> -> memref<100096xf32, #tpu.memory_space<hbm>>
      %dma_wait3A_350 = arith.constant 0 : i32
      %dma_wait3A_351 = tpu.memref_slice %dma_wait3A_349[%dma_wait3A_350] : memref<100096xf32, #tpu.memory_space<hbm>> -> memref<100096xf32, #tpu.memory_space<hbm>>
      tpu.wait_indirect_dma semaphore(%arg7 : memref<!tpu.dma_semaphore, #tpu.memory_space<semaphore_mem>>) src(%dma_wait3A_351 : memref<100096xf32, #tpu.memory_space<hbm>>) dst(%dma_wait3A_345 : memref<128xf32, #tpu.memory_space<vmem>>)
      %mul3A_352 = arith.constant 16 : i32
      %mul3A_353 = arith.muli %scan3A_14, %mul3A_352 : i32
      %add3A_354 = arith.constant 6 : i32
      %add3A_355 = arith.addi %mul3A_353, %add3A_354 : i32
      %jit3A_356 = arith.constant 8 : i32
      %div3A_357 = arith.divsi %add3A_355, %jit3A_356 : i32
      %sign3A_358 = arith.constant 0 : i32
      %sign3A_359 = arith.cmpi sgt, %add3A_355, %sign3A_358 : i32
      %sign3A_360 = arith.extui %sign3A_359 : i1 to i32
      %sign3A_361 = arith.constant 0 : i32
      %sign3A_362 = arith.cmpi slt, %add3A_355, %sign3A_361 : i32
      %sign3A_363 = arith.extui %sign3A_362 : i1 to i32
      %sign3A_364 = arith.subi %sign3A_360, %sign3A_363 : i32
      %sign3A_365 = arith.constant 0 : i32
      %sign3A_366 = arith.cmpi sgt, %jit3A_356, %sign3A_365 : i32
      %sign3A_367 = arith.extui %sign3A_366 : i1 to i32
      %sign3A_368 = arith.constant 0 : i32
      %sign3A_369 = arith.cmpi slt, %jit3A_356, %sign3A_368 : i32
      %sign3A_370 = arith.extui %sign3A_369 : i1 to i32
      %sign3A_371 = arith.subi %sign3A_367, %sign3A_370 : i32
      %ne3A_372 = arith.cmpi ne, %sign3A_364, %sign3A_371 : i32
      %rem3A_373 = arith.remsi %add3A_355, %jit3A_356 : i32
      %ne3A_374 = arith.constant 0 : i32
      %ne3A_375 = arith.cmpi ne, %rem3A_373, %ne3A_374 : i32
      %and3A_376 = arith.andi %ne3A_372, %ne3A_375 : i1
      %sub3A_377 = arith.constant 1 : i32
      %sub3A_378 = arith.subi %div3A_357, %sub3A_377 : i32
      %select_n3A_379 = arith.select %and3A_376, %sub3A_378, %div3A_357 : i32
      %mul3A_380 = arith.constant 800768 : i32
      %mul3A_381 = arith.muli %select_n3A_379, %mul3A_380 : i32
      %jit3A_382 = arith.constant 8 : i32
      %eq3A_383 = arith.constant 0 : i32
      %eq3A_384 = arith.cmpi eq, %jit3A_382, %eq3A_383 : i32
      %jit3A_385 = arith.constant 1 : i32
      %select_n3A_386 = arith.select %eq3A_384, %jit3A_385, %jit3A_382 : i32
      %rem3A_387 = arith.remsi %add3A_355, %select_n3A_386 : i32
      %ne3A_388 = arith.constant 0 : i32
      %ne3A_389 = arith.cmpi ne, %rem3A_387, %ne3A_388 : i32
      %lt3A_390 = arith.constant 0 : i32
      %lt3A_391 = arith.cmpi slt, %rem3A_387, %lt3A_390 : i32
      %lt3A_392 = arith.constant 0 : i32
      %lt3A_393 = arith.cmpi slt, %select_n3A_386, %lt3A_392 : i32
      %ne3A_394 = arith.xori %lt3A_391, %lt3A_393 : i1
      %and3A_395 = arith.andi %ne3A_394, %ne3A_389 : i1
      %add3A_396 = arith.addi %rem3A_387, %select_n3A_386 : i32
      %select_n3A_397 = arith.select %and3A_395, %add3A_396, %rem3A_387 : i32
      %mul3A_398 = arith.constant 100096 : i32
      %mul3A_399 = arith.muli %select_n3A_397, %mul3A_398 : i32
      %add3A_400 = arith.addi %mul3A_381, %mul3A_399 : i32
      %dma_wait3A_401 = arith.constant 0 : i32
      %dma_wait3A_402 = tpu.memref_slice %arg6[%add3A_355, %dma_wait3A_401] : memref<208x128xf32, #tpu.memory_space<vmem>> -> memref<1x128xf32, #tpu.memory_space<vmem>>
      %dma_wait3A_403 = tpu.memref_squeeze %dma_wait3A_402 : memref<1x128xf32, #tpu.memory_space<vmem>> -> memref<128xf32, #tpu.memory_space<vmem>>
      %dma_wait3A_404 = arith.constant 0 : i32
      %dma_wait3A_405 = tpu.memref_slice %arg5[%scan3A_14, %dma_wait3A_404] : memref<13x128xi32, #tpu.memory_space<vmem>> -> memref<1x128xi32, #tpu.memory_space<vmem>>
      %dma_wait3A_406 = tpu.memref_squeeze %dma_wait3A_405 : memref<1x128xi32, #tpu.memory_space<vmem>> -> memref<128xi32, #tpu.memory_space<vmem>>
      %dma_wait3A_407 = tpu.memref_slice %arg2[%add3A_400] : memref<20819968xf32, #tpu.memory_space<hbm>> -> memref<100096xf32, #tpu.memory_space<hbm>>
      %dma_wait3A_408 = arith.constant 0 : i32
      %dma_wait3A_409 = tpu.memref_slice %dma_wait3A_407[%dma_wait3A_408] : memref<100096xf32, #tpu.memory_space<hbm>> -> memref<100096xf32, #tpu.memory_space<hbm>>
      tpu.wait_indirect_dma semaphore(%arg7 : memref<!tpu.dma_semaphore, #tpu.memory_space<semaphore_mem>>) src(%dma_wait3A_409 : memref<100096xf32, #tpu.memory_space<hbm>>) dst(%dma_wait3A_403 : memref<128xf32, #tpu.memory_space<vmem>>)
      %mul3A_410 = arith.constant 16 : i32
      %mul3A_411 = arith.muli %scan3A_14, %mul3A_410 : i32
      %add3A_412 = arith.constant 7 : i32
      %add3A_413 = arith.addi %mul3A_411, %add3A_412 : i32
      %jit3A_414 = arith.constant 8 : i32
      %div3A_415 = arith.divsi %add3A_413, %jit3A_414 : i32
      %sign3A_416 = arith.constant 0 : i32
      %sign3A_417 = arith.cmpi sgt, %add3A_413, %sign3A_416 : i32
      %sign3A_418 = arith.extui %sign3A_417 : i1 to i32
      %sign3A_419 = arith.constant 0 : i32
      %sign3A_420 = arith.cmpi slt, %add3A_413, %sign3A_419 : i32
      %sign3A_421 = arith.extui %sign3A_420 : i1 to i32
      %sign3A_422 = arith.subi %sign3A_418, %sign3A_421 : i32
      %sign3A_423 = arith.constant 0 : i32
      %sign3A_424 = arith.cmpi sgt, %jit3A_414, %sign3A_423 : i32
      %sign3A_425 = arith.extui %sign3A_424 : i1 to i32
      %sign3A_426 = arith.constant 0 : i32
      %sign3A_427 = arith.cmpi slt, %jit3A_414, %sign3A_426 : i32
      %sign3A_428 = arith.extui %sign3A_427 : i1 to i32
      %sign3A_429 = arith.subi %sign3A_425, %sign3A_428 : i32
      %ne3A_430 = arith.cmpi ne, %sign3A_422, %sign3A_429 : i32
      %rem3A_431 = arith.remsi %add3A_413, %jit3A_414 : i32
      %ne3A_432 = arith.constant 0 : i32
      %ne3A_433 = arith.cmpi ne, %rem3A_431, %ne3A_432 : i32
      %and3A_434 = arith.andi %ne3A_430, %ne3A_433 : i1
      %sub3A_435 = arith.constant 1 : i32
      %sub3A_436 = arith.subi %div3A_415, %sub3A_435 : i32
      %select_n3A_437 = arith.select %and3A_434, %sub3A_436, %div3A_415 : i32
      %mul3A_438 = arith.constant 800768 : i32
      %mul3A_439 = arith.muli %select_n3A_437, %mul3A_438 : i32
      %jit3A_440 = arith.constant 8 : i32
      %eq3A_441 = arith.constant 0 : i32
      %eq3A_442 = arith.cmpi eq, %jit3A_440, %eq3A_441 : i32
      %jit3A_443 = arith.constant 1 : i32
      %select_n3A_444 = arith.select %eq3A_442, %jit3A_443, %jit3A_440 : i32
      %rem3A_445 = arith.remsi %add3A_413, %select_n3A_444 : i32
      %ne3A_446 = arith.constant 0 : i32
      %ne3A_447 = arith.cmpi ne, %rem3A_445, %ne3A_446 : i32
      %lt3A_448 = arith.constant 0 : i32
      %lt3A_449 = arith.cmpi slt, %rem3A_445, %lt3A_448 : i32
      %lt3A_450 = arith.constant 0 : i32
      %lt3A_451 = arith.cmpi slt, %select_n3A_444, %lt3A_450 : i32
      %ne3A_452 = arith.xori %lt3A_449, %lt3A_451 : i1
      %and3A_453 = arith.andi %ne3A_452, %ne3A_447 : i1
      %add3A_454 = arith.addi %rem3A_445, %select_n3A_444 : i32
      %select_n3A_455 = arith.select %and3A_453, %add3A_454, %rem3A_445 : i32
      %mul3A_456 = arith.constant 100096 : i32
      %mul3A_457 = arith.muli %select_n3A_455, %mul3A_456 : i32
      %add3A_458 = arith.addi %mul3A_439, %mul3A_457 : i32
      %dma_wait3A_459 = arith.constant 0 : i32
      %dma_wait3A_460 = tpu.memref_slice %arg6[%add3A_413, %dma_wait3A_459] : memref<208x128xf32, #tpu.memory_space<vmem>> -> memref<1x128xf32, #tpu.memory_space<vmem>>
      %dma_wait3A_461 = tpu.memref_squeeze %dma_wait3A_460 : memref<1x128xf32, #tpu.memory_space<vmem>> -> memref<128xf32, #tpu.memory_space<vmem>>
      %dma_wait3A_462 = arith.constant 0 : i32
      %dma_wait3A_463 = tpu.memref_slice %arg5[%scan3A_14, %dma_wait3A_462] : memref<13x128xi32, #tpu.memory_space<vmem>> -> memref<1x128xi32, #tpu.memory_space<vmem>>
      %dma_wait3A_464 = tpu.memref_squeeze %dma_wait3A_463 : memref<1x128xi32, #tpu.memory_space<vmem>> -> memref<128xi32, #tpu.memory_space<vmem>>
      %dma_wait3A_465 = tpu.memref_slice %arg2[%add3A_458] : memref<20819968xf32, #tpu.memory_space<hbm>> -> memref<100096xf32, #tpu.memory_space<hbm>>
      %dma_wait3A_466 = arith.constant 0 : i32
      %dma_wait3A_467 = tpu.memref_slice %dma_wait3A_465[%dma_wait3A_466] : memref<100096xf32, #tpu.memory_space<hbm>> -> memref<100096xf32, #tpu.memory_space<hbm>>
      tpu.wait_indirect_dma semaphore(%arg7 : memref<!tpu.dma_semaphore, #tpu.memory_space<semaphore_mem>>) src(%dma_wait3A_467 : memref<100096xf32, #tpu.memory_space<hbm>>) dst(%dma_wait3A_461 : memref<128xf32, #tpu.memory_space<vmem>>)
      %mul3A_468 = arith.constant 16 : i32
      %mul3A_469 = arith.muli %scan3A_14, %mul3A_468 : i32
      %add3A_470 = arith.constant 8 : i32
      %add3A_471 = arith.addi %mul3A_469, %add3A_470 : i32
      %jit3A_472 = arith.constant 8 : i32
      %div3A_473 = arith.divsi %add3A_471, %jit3A_472 : i32
      %sign3A_474 = arith.constant 0 : i32
      %sign3A_475 = arith.cmpi sgt, %add3A_471, %sign3A_474 : i32
      %sign3A_476 = arith.extui %sign3A_475 : i1 to i32
      %sign3A_477 = arith.constant 0 : i32
      %sign3A_478 = arith.cmpi slt, %add3A_471, %sign3A_477 : i32
      %sign3A_479 = arith.extui %sign3A_478 : i1 to i32
      %sign3A_480 = arith.subi %sign3A_476, %sign3A_479 : i32
      %sign3A_481 = arith.constant 0 : i32
      %sign3A_482 = arith.cmpi sgt, %jit3A_472, %sign3A_481 : i32
      %sign3A_483 = arith.extui %sign3A_482 : i1 to i32
      %sign3A_484 = arith.constant 0 : i32
      %sign3A_485 = arith.cmpi slt, %jit3A_472, %sign3A_484 : i32
      %sign3A_486 = arith.extui %sign3A_485 : i1 to i32
      %sign3A_487 = arith.subi %sign3A_483, %sign3A_486 : i32
      %ne3A_488 = arith.cmpi ne, %sign3A_480, %sign3A_487 : i32
      %rem3A_489 = arith.remsi %add3A_471, %jit3A_472 : i32
      %ne3A_490 = arith.constant 0 : i32
      %ne3A_491 = arith.cmpi ne, %rem3A_489, %ne3A_490 : i32
      %and3A_492 = arith.andi %ne3A_488, %ne3A_491 : i1
      %sub3A_493 = arith.constant 1 : i32
      %sub3A_494 = arith.subi %div3A_473, %sub3A_493 : i32
      %select_n3A_495 = arith.select %and3A_492, %sub3A_494, %div3A_473 : i32
      %mul3A_496 = arith.constant 800768 : i32
      %mul3A_497 = arith.muli %select_n3A_495, %mul3A_496 : i32
      %jit3A_498 = arith.constant 8 : i32
      %eq3A_499 = arith.constant 0 : i32
      %eq3A_500 = arith.cmpi eq, %jit3A_498, %eq3A_499 : i32
      %jit3A_501 = arith.constant 1 : i32
      %select_n3A_502 = arith.select %eq3A_500, %jit3A_501, %jit3A_498 : i32
      %rem3A_503 = arith.remsi %add3A_471, %select_n3A_502 : i32
      %ne3A_504 = arith.constant 0 : i32
      %ne3A_505 = arith.cmpi ne, %rem3A_503, %ne3A_504 : i32
      %lt3A_506 = arith.constant 0 : i32
      %lt3A_507 = arith.cmpi slt, %rem3A_503, %lt3A_506 : i32
      %lt3A_508 = arith.constant 0 : i32
      %lt3A_509 = arith.cmpi slt, %select_n3A_502, %lt3A_508 : i32
      %ne3A_510 = arith.xori %lt3A_507, %lt3A_509 : i1
      %and3A_511 = arith.andi %ne3A_510, %ne3A_505 : i1
      %add3A_512 = arith.addi %rem3A_503, %select_n3A_502 : i32
      %select_n3A_513 = arith.select %and3A_511, %add3A_512, %rem3A_503 : i32
      %mul3A_514 = arith.constant 100096 : i32
      %mul3A_515 = arith.muli %select_n3A_513, %mul3A_514 : i32
      %add3A_516 = arith.addi %mul3A_497, %mul3A_515 : i32
      %dma_wait3A_517 = arith.constant 0 : i32
      %dma_wait3A_518 = tpu.memref_slice %arg6[%add3A_471, %dma_wait3A_517] : memref<208x128xf32, #tpu.memory_space<vmem>> -> memref<1x128xf32, #tpu.memory_space<vmem>>
      %dma_wait3A_519 = tpu.memref_squeeze %dma_wait3A_518 : memref<1x128xf32, #tpu.memory_space<vmem>> -> memref<128xf32, #tpu.memory_space<vmem>>
      %dma_wait3A_520 = arith.constant 0 : i32
      %dma_wait3A_521 = tpu.memref_slice %arg5[%scan3A_14, %dma_wait3A_520] : memref<13x128xi32, #tpu.memory_space<vmem>> -> memref<1x128xi32, #tpu.memory_space<vmem>>
      %dma_wait3A_522 = tpu.memref_squeeze %dma_wait3A_521 : memref<1x128xi32, #tpu.memory_space<vmem>> -> memref<128xi32, #tpu.memory_space<vmem>>
      %dma_wait3A_523 = tpu.memref_slice %arg2[%add3A_516] : memref<20819968xf32, #tpu.memory_space<hbm>> -> memref<100096xf32, #tpu.memory_space<hbm>>
      %dma_wait3A_524 = arith.constant 0 : i32
      %dma_wait3A_525 = tpu.memref_slice %dma_wait3A_523[%dma_wait3A_524] : memref<100096xf32, #tpu.memory_space<hbm>> -> memref<100096xf32, #tpu.memory_space<hbm>>
      tpu.wait_indirect_dma semaphore(%arg7 : memref<!tpu.dma_semaphore, #tpu.memory_space<semaphore_mem>>) src(%dma_wait3A_525 : memref<100096xf32, #tpu.memory_space<hbm>>) dst(%dma_wait3A_519 : memref<128xf32, #tpu.memory_space<vmem>>)
      %mul3A_526 = arith.constant 16 : i32
      %mul3A_527 = arith.muli %scan3A_14, %mul3A_526 : i32
      %add3A_528 = arith.constant 9 : i32
      %add3A_529 = arith.addi %mul3A_527, %add3A_528 : i32
      %jit3A_530 = arith.constant 8 : i32
      %div3A_531 = arith.divsi %add3A_529, %jit3A_530 : i32
      %sign3A_532 = arith.constant 0 : i32
      %sign3A_533 = arith.cmpi sgt, %add3A_529, %sign3A_532 : i32
      %sign3A_534 = arith.extui %sign3A_533 : i1 to i32
      %sign3A_535 = arith.constant 0 : i32
      %sign3A_536 = arith.cmpi slt, %add3A_529, %sign3A_535 : i32
      %sign3A_537 = arith.extui %sign3A_536 : i1 to i32
      %sign3A_538 = arith.subi %sign3A_534, %sign3A_537 : i32
      %sign3A_539 = arith.constant 0 : i32
      %sign3A_540 = arith.cmpi sgt, %jit3A_530, %sign3A_539 : i32
      %sign3A_541 = arith.extui %sign3A_540 : i1 to i32
      %sign3A_542 = arith.constant 0 : i32
      %sign3A_543 = arith.cmpi slt, %jit3A_530, %sign3A_542 : i32
      %sign3A_544 = arith.extui %sign3A_543 : i1 to i32
      %sign3A_545 = arith.subi %sign3A_541, %sign3A_544 : i32
      %ne3A_546 = arith.cmpi ne, %sign3A_538, %sign3A_545 : i32
      %rem3A_547 = arith.remsi %add3A_529, %jit3A_530 : i32
      %ne3A_548 = arith.constant 0 : i32
      %ne3A_549 = arith.cmpi ne, %rem3A_547, %ne3A_548 : i32
      %and3A_550 = arith.andi %ne3A_546, %ne3A_549 : i1
      %sub3A_551 = arith.constant 1 : i32
      %sub3A_552 = arith.subi %div3A_531, %sub3A_551 : i32
      %select_n3A_553 = arith.select %and3A_550, %sub3A_552, %div3A_531 : i32
      %mul3A_554 = arith.constant 800768 : i32
      %mul3A_555 = arith.muli %select_n3A_553, %mul3A_554 : i32
      %jit3A_556 = arith.constant 8 : i32
      %eq3A_557 = arith.constant 0 : i32
      %eq3A_558 = arith.cmpi eq, %jit3A_556, %eq3A_557 : i32
      %jit3A_559 = arith.constant 1 : i32
      %select_n3A_560 = arith.select %eq3A_558, %jit3A_559, %jit3A_556 : i32
      %rem3A_561 = arith.remsi %add3A_529, %select_n3A_560 : i32
      %ne3A_562 = arith.constant 0 : i32
      %ne3A_563 = arith.cmpi ne, %rem3A_561, %ne3A_562 : i32
      %lt3A_564 = arith.constant 0 : i32
      %lt3A_565 = arith.cmpi slt, %rem3A_561, %lt3A_564 : i32
      %lt3A_566 = arith.constant 0 : i32
      %lt3A_567 = arith.cmpi slt, %select_n3A_560, %lt3A_566 : i32
      %ne3A_568 = arith.xori %lt3A_565, %lt3A_567 : i1
      %and3A_569 = arith.andi %ne3A_568, %ne3A_563 : i1
      %add3A_570 = arith.addi %rem3A_561, %select_n3A_560 : i32
      %select_n3A_571 = arith.select %and3A_569, %add3A_570, %rem3A_561 : i32
      %mul3A_572 = arith.constant 100096 : i32
      %mul3A_573 = arith.muli %select_n3A_571, %mul3A_572 : i32
      %add3A_574 = arith.addi %mul3A_555, %mul3A_573 : i32
      %dma_wait3A_575 = arith.constant 0 : i32
      %dma_wait3A_576 = tpu.memref_slice %arg6[%add3A_529, %dma_wait3A_575] : memref<208x128xf32, #tpu.memory_space<vmem>> -> memref<1x128xf32, #tpu.memory_space<vmem>>
      %dma_wait3A_577 = tpu.memref_squeeze %dma_wait3A_576 : memref<1x128xf32, #tpu.memory_space<vmem>> -> memref<128xf32, #tpu.memory_space<vmem>>
      %dma_wait3A_578 = arith.constant 0 : i32
      %dma_wait3A_579 = tpu.memref_slice %arg5[%scan3A_14, %dma_wait3A_578] : memref<13x128xi32, #tpu.memory_space<vmem>> -> memref<1x128xi32, #tpu.memory_space<vmem>>
      %dma_wait3A_580 = tpu.memref_squeeze %dma_wait3A_579 : memref<1x128xi32, #tpu.memory_space<vmem>> -> memref<128xi32, #tpu.memory_space<vmem>>
      %dma_wait3A_581 = tpu.memref_slice %arg2[%add3A_574] : memref<20819968xf32, #tpu.memory_space<hbm>> -> memref<100096xf32, #tpu.memory_space<hbm>>
      %dma_wait3A_582 = arith.constant 0 : i32
      %dma_wait3A_583 = tpu.memref_slice %dma_wait3A_581[%dma_wait3A_582] : memref<100096xf32, #tpu.memory_space<hbm>> -> memref<100096xf32, #tpu.memory_space<hbm>>
      tpu.wait_indirect_dma semaphore(%arg7 : memref<!tpu.dma_semaphore, #tpu.memory_space<semaphore_mem>>) src(%dma_wait3A_583 : memref<100096xf32, #tpu.memory_space<hbm>>) dst(%dma_wait3A_577 : memref<128xf32, #tpu.memory_space<vmem>>)
      %mul3A_584 = arith.constant 16 : i32
      %mul3A_585 = arith.muli %scan3A_14, %mul3A_584 : i32
      %add3A_586 = arith.constant 10 : i32
      %add3A_587 = arith.addi %mul3A_585, %add3A_586 : i32
      %jit3A_588 = arith.constant 8 : i32
      %div3A_589 = arith.divsi %add3A_587, %jit3A_588 : i32
      %sign3A_590 = arith.constant 0 : i32
      %sign3A_591 = arith.cmpi sgt, %add3A_587, %sign3A_590 : i32
      %sign3A_592 = arith.extui %sign3A_591 : i1 to i32
      %sign3A_593 = arith.constant 0 : i32
      %sign3A_594 = arith.cmpi slt, %add3A_587, %sign3A_593 : i32
      %sign3A_595 = arith.extui %sign3A_594 : i1 to i32
      %sign3A_596 = arith.subi %sign3A_592, %sign3A_595 : i32
      %sign3A_597 = arith.constant 0 : i32
      %sign3A_598 = arith.cmpi sgt, %jit3A_588, %sign3A_597 : i32
      %sign3A_599 = arith.extui %sign3A_598 : i1 to i32
      %sign3A_600 = arith.constant 0 : i32
      %sign3A_601 = arith.cmpi slt, %jit3A_588, %sign3A_600 : i32
      %sign3A_602 = arith.extui %sign3A_601 : i1 to i32
      %sign3A_603 = arith.subi %sign3A_599, %sign3A_602 : i32
      %ne3A_604 = arith.cmpi ne, %sign3A_596, %sign3A_603 : i32
      %rem3A_605 = arith.remsi %add3A_587, %jit3A_588 : i32
      %ne3A_606 = arith.constant 0 : i32
      %ne3A_607 = arith.cmpi ne, %rem3A_605, %ne3A_606 : i32
      %and3A_608 = arith.andi %ne3A_604, %ne3A_607 : i1
      %sub3A_609 = arith.constant 1 : i32
      %sub3A_610 = arith.subi %div3A_589, %sub3A_609 : i32
      %select_n3A_611 = arith.select %and3A_608, %sub3A_610, %div3A_589 : i32
      %mul3A_612 = arith.constant 800768 : i32
      %mul3A_613 = arith.muli %select_n3A_611, %mul3A_612 : i32
      %jit3A_614 = arith.constant 8 : i32
      %eq3A_615 = arith.constant 0 : i32
      %eq3A_616 = arith.cmpi eq, %jit3A_614, %eq3A_615 : i32
      %jit3A_617 = arith.constant 1 : i32
      %select_n3A_618 = arith.select %eq3A_616, %jit3A_617, %jit3A_614 : i32
      %rem3A_619 = arith.remsi %add3A_587, %select_n3A_618 : i32
      %ne3A_620 = arith.constant 0 : i32
      %ne3A_621 = arith.cmpi ne, %rem3A_619, %ne3A_620 : i32
      %lt3A_622 = arith.constant 0 : i32
      %lt3A_623 = arith.cmpi slt, %rem3A_619, %lt3A_622 : i32
      %lt3A_624 = arith.constant 0 : i32
      %lt3A_625 = arith.cmpi slt, %select_n3A_618, %lt3A_624 : i32
      %ne3A_626 = arith.xori %lt3A_623, %lt3A_625 : i1
      %and3A_627 = arith.andi %ne3A_626, %ne3A_621 : i1
      %add3A_628 = arith.addi %rem3A_619, %select_n3A_618 : i32
      %select_n3A_629 = arith.select %and3A_627, %add3A_628, %rem3A_619 : i32
      %mul3A_630 = arith.constant 100096 : i32
      %mul3A_631 = arith.muli %select_n3A_629, %mul3A_630 : i32
      %add3A_632 = arith.addi %mul3A_613, %mul3A_631 : i32
      %dma_wait3A_633 = arith.constant 0 : i32
      %dma_wait3A_634 = tpu.memref_slice %arg6[%add3A_587, %dma_wait3A_633] : memref<208x128xf32, #tpu.memory_space<vmem>> -> memref<1x128xf32, #tpu.memory_space<vmem>>
      %dma_wait3A_635 = tpu.memref_squeeze %dma_wait3A_634 : memref<1x128xf32, #tpu.memory_space<vmem>> -> memref<128xf32, #tpu.memory_space<vmem>>
      %dma_wait3A_636 = arith.constant 0 : i32
      %dma_wait3A_637 = tpu.memref_slice %arg5[%scan3A_14, %dma_wait3A_636] : memref<13x128xi32, #tpu.memory_space<vmem>> -> memref<1x128xi32, #tpu.memory_space<vmem>>
      %dma_wait3A_638 = tpu.memref_squeeze %dma_wait3A_637 : memref<1x128xi32, #tpu.memory_space<vmem>> -> memref<128xi32, #tpu.memory_space<vmem>>
      %dma_wait3A_639 = tpu.memref_slice %arg2[%add3A_632] : memref<20819968xf32, #tpu.memory_space<hbm>> -> memref<100096xf32, #tpu.memory_space<hbm>>
      %dma_wait3A_640 = arith.constant 0 : i32
      %dma_wait3A_641 = tpu.memref_slice %dma_wait3A_639[%dma_wait3A_640] : memref<100096xf32, #tpu.memory_space<hbm>> -> memref<100096xf32, #tpu.memory_space<hbm>>
      tpu.wait_indirect_dma semaphore(%arg7 : memref<!tpu.dma_semaphore, #tpu.memory_space<semaphore_mem>>) src(%dma_wait3A_641 : memref<100096xf32, #tpu.memory_space<hbm>>) dst(%dma_wait3A_635 : memref<128xf32, #tpu.memory_space<vmem>>)
      %mul3A_642 = arith.constant 16 : i32
      %mul3A_643 = arith.muli %scan3A_14, %mul3A_642 : i32
      %add3A_644 = arith.constant 11 : i32
      %add3A_645 = arith.addi %mul3A_643, %add3A_644 : i32
      %jit3A_646 = arith.constant 8 : i32
      %div3A_647 = arith.divsi %add3A_645, %jit3A_646 : i32
      %sign3A_648 = arith.constant 0 : i32
      %sign3A_649 = arith.cmpi sgt, %add3A_645, %sign3A_648 : i32
      %sign3A_650 = arith.extui %sign3A_649 : i1 to i32
      %sign3A_651 = arith.constant 0 : i32
      %sign3A_652 = arith.cmpi slt, %add3A_645, %sign3A_651 : i32
      %sign3A_653 = arith.extui %sign3A_652 : i1 to i32
      %sign3A_654 = arith.subi %sign3A_650, %sign3A_653 : i32
      %sign3A_655 = arith.constant 0 : i32
      %sign3A_656 = arith.cmpi sgt, %jit3A_646, %sign3A_655 : i32
      %sign3A_657 = arith.extui %sign3A_656 : i1 to i32
      %sign3A_658 = arith.constant 0 : i32
      %sign3A_659 = arith.cmpi slt, %jit3A_646, %sign3A_658 : i32
      %sign3A_660 = arith.extui %sign3A_659 : i1 to i32
      %sign3A_661 = arith.subi %sign3A_657, %sign3A_660 : i32
      %ne3A_662 = arith.cmpi ne, %sign3A_654, %sign3A_661 : i32
      %rem3A_663 = arith.remsi %add3A_645, %jit3A_646 : i32
      %ne3A_664 = arith.constant 0 : i32
      %ne3A_665 = arith.cmpi ne, %rem3A_663, %ne3A_664 : i32
      %and3A_666 = arith.andi %ne3A_662, %ne3A_665 : i1
      %sub3A_667 = arith.constant 1 : i32
      %sub3A_668 = arith.subi %div3A_647, %sub3A_667 : i32
      %select_n3A_669 = arith.select %and3A_666, %sub3A_668, %div3A_647 : i32
      %mul3A_670 = arith.constant 800768 : i32
      %mul3A_671 = arith.muli %select_n3A_669, %mul3A_670 : i32
      %jit3A_672 = arith.constant 8 : i32
      %eq3A_673 = arith.constant 0 : i32
      %eq3A_674 = arith.cmpi eq, %jit3A_672, %eq3A_673 : i32
      %jit3A_675 = arith.constant 1 : i32
      %select_n3A_676 = arith.select %eq3A_674, %jit3A_675, %jit3A_672 : i32
      %rem3A_677 = arith.remsi %add3A_645, %select_n3A_676 : i32
      %ne3A_678 = arith.constant 0 : i32
      %ne3A_679 = arith.cmpi ne, %rem3A_677, %ne3A_678 : i32
      %lt3A_680 = arith.constant 0 : i32
      %lt3A_681 = arith.cmpi slt, %rem3A_677, %lt3A_680 : i32
      %lt3A_682 = arith.constant 0 : i32
      %lt3A_683 = arith.cmpi slt, %select_n3A_676, %lt3A_682 : i32
      %ne3A_684 = arith.xori %lt3A_681, %lt3A_683 : i1
      %and3A_685 = arith.andi %ne3A_684, %ne3A_679 : i1
      %add3A_686 = arith.addi %rem3A_677, %select_n3A_676 : i32
      %select_n3A_687 = arith.select %and3A_685, %add3A_686, %rem3A_677 : i32
      %mul3A_688 = arith.constant 100096 : i32
      %mul3A_689 = arith.muli %select_n3A_687, %mul3A_688 : i32
      %add3A_690 = arith.addi %mul3A_671, %mul3A_689 : i32
      %dma_wait3A_691 = arith.constant 0 : i32
      %dma_wait3A_692 = tpu.memref_slice %arg6[%add3A_645, %dma_wait3A_691] : memref<208x128xf32, #tpu.memory_space<vmem>> -> memref<1x128xf32, #tpu.memory_space<vmem>>
      %dma_wait3A_693 = tpu.memref_squeeze %dma_wait3A_692 : memref<1x128xf32, #tpu.memory_space<vmem>> -> memref<128xf32, #tpu.memory_space<vmem>>
      %dma_wait3A_694 = arith.constant 0 : i32
      %dma_wait3A_695 = tpu.memref_slice %arg5[%scan3A_14, %dma_wait3A_694] : memref<13x128xi32, #tpu.memory_space<vmem>> -> memref<1x128xi32, #tpu.memory_space<vmem>>
      %dma_wait3A_696 = tpu.memref_squeeze %dma_wait3A_695 : memref<1x128xi32, #tpu.memory_space<vmem>> -> memref<128xi32, #tpu.memory_space<vmem>>
      %dma_wait3A_697 = tpu.memref_slice %arg2[%add3A_690] : memref<20819968xf32, #tpu.memory_space<hbm>> -> memref<100096xf32, #tpu.memory_space<hbm>>
      %dma_wait3A_698 = arith.constant 0 : i32
      %dma_wait3A_699 = tpu.memref_slice %dma_wait3A_697[%dma_wait3A_698] : memref<100096xf32, #tpu.memory_space<hbm>> -> memref<100096xf32, #tpu.memory_space<hbm>>
      tpu.wait_indirect_dma semaphore(%arg7 : memref<!tpu.dma_semaphore, #tpu.memory_space<semaphore_mem>>) src(%dma_wait3A_699 : memref<100096xf32, #tpu.memory_space<hbm>>) dst(%dma_wait3A_693 : memref<128xf32, #tpu.memory_space<vmem>>)
      %mul3A_700 = arith.constant 16 : i32
      %mul3A_701 = arith.muli %scan3A_14, %mul3A_700 : i32
      %add3A_702 = arith.constant 12 : i32
      %add3A_703 = arith.addi %mul3A_701, %add3A_702 : i32
      %jit3A_704 = arith.constant 8 : i32
      %div3A_705 = arith.divsi %add3A_703, %jit3A_704 : i32
      %sign3A_706 = arith.constant 0 : i32
      %sign3A_707 = arith.cmpi sgt, %add3A_703, %sign3A_706 : i32
      %sign3A_708 = arith.extui %sign3A_707 : i1 to i32
      %sign3A_709 = arith.constant 0 : i32
      %sign3A_710 = arith.cmpi slt, %add3A_703, %sign3A_709 : i32
      %sign3A_711 = arith.extui %sign3A_710 : i1 to i32
      %sign3A_712 = arith.subi %sign3A_708, %sign3A_711 : i32
      %sign3A_713 = arith.constant 0 : i32
      %sign3A_714 = arith.cmpi sgt, %jit3A_704, %sign3A_713 : i32
      %sign3A_715 = arith.extui %sign3A_714 : i1 to i32
      %sign3A_716 = arith.constant 0 : i32
      %sign3A_717 = arith.cmpi slt, %jit3A_704, %sign3A_716 : i32
      %sign3A_718 = arith.extui %sign3A_717 : i1 to i32
      %sign3A_719 = arith.subi %sign3A_715, %sign3A_718 : i32
      %ne3A_720 = arith.cmpi ne, %sign3A_712, %sign3A_719 : i32
      %rem3A_721 = arith.remsi %add3A_703, %jit3A_704 : i32
      %ne3A_722 = arith.constant 0 : i32
      %ne3A_723 = arith.cmpi ne, %rem3A_721, %ne3A_722 : i32
      %and3A_724 = arith.andi %ne3A_720, %ne3A_723 : i1
      %sub3A_725 = arith.constant 1 : i32
      %sub3A_726 = arith.subi %div3A_705, %sub3A_725 : i32
      %select_n3A_727 = arith.select %and3A_724, %sub3A_726, %div3A_705 : i32
      %mul3A_728 = arith.constant 800768 : i32
      %mul3A_729 = arith.muli %select_n3A_727, %mul3A_728 : i32
      %jit3A_730 = arith.constant 8 : i32
      %eq3A_731 = arith.constant 0 : i32
      %eq3A_732 = arith.cmpi eq, %jit3A_730, %eq3A_731 : i32
      %jit3A_733 = arith.constant 1 : i32
      %select_n3A_734 = arith.select %eq3A_732, %jit3A_733, %jit3A_730 : i32
      %rem3A_735 = arith.remsi %add3A_703, %select_n3A_734 : i32
      %ne3A_736 = arith.constant 0 : i32
      %ne3A_737 = arith.cmpi ne, %rem3A_735, %ne3A_736 : i32
      %lt3A_738 = arith.constant 0 : i32
      %lt3A_739 = arith.cmpi slt, %rem3A_735, %lt3A_738 : i32
      %lt3A_740 = arith.constant 0 : i32
      %lt3A_741 = arith.cmpi slt, %select_n3A_734, %lt3A_740 : i32
      %ne3A_742 = arith.xori %lt3A_739, %lt3A_741 : i1
      %and3A_743 = arith.andi %ne3A_742, %ne3A_737 : i1
      %add3A_744 = arith.addi %rem3A_735, %select_n3A_734 : i32
      %select_n3A_745 = arith.select %and3A_743, %add3A_744, %rem3A_735 : i32
      %mul3A_746 = arith.constant 100096 : i32
      %mul3A_747 = arith.muli %select_n3A_745, %mul3A_746 : i32
      %add3A_748 = arith.addi %mul3A_729, %mul3A_747 : i32
      %dma_wait3A_749 = arith.constant 0 : i32
      %dma_wait3A_750 = tpu.memref_slice %arg6[%add3A_703, %dma_wait3A_749] : memref<208x128xf32, #tpu.memory_space<vmem>> -> memref<1x128xf32, #tpu.memory_space<vmem>>
      %dma_wait3A_751 = tpu.memref_squeeze %dma_wait3A_750 : memref<1x128xf32, #tpu.memory_space<vmem>> -> memref<128xf32, #tpu.memory_space<vmem>>
      %dma_wait3A_752 = arith.constant 0 : i32
      %dma_wait3A_753 = tpu.memref_slice %arg5[%scan3A_14, %dma_wait3A_752] : memref<13x128xi32, #tpu.memory_space<vmem>> -> memref<1x128xi32, #tpu.memory_space<vmem>>
      %dma_wait3A_754 = tpu.memref_squeeze %dma_wait3A_753 : memref<1x128xi32, #tpu.memory_space<vmem>> -> memref<128xi32, #tpu.memory_space<vmem>>
      %dma_wait3A_755 = tpu.memref_slice %arg2[%add3A_748] : memref<20819968xf32, #tpu.memory_space<hbm>> -> memref<100096xf32, #tpu.memory_space<hbm>>
      %dma_wait3A_756 = arith.constant 0 : i32
      %dma_wait3A_757 = tpu.memref_slice %dma_wait3A_755[%dma_wait3A_756] : memref<100096xf32, #tpu.memory_space<hbm>> -> memref<100096xf32, #tpu.memory_space<hbm>>
      tpu.wait_indirect_dma semaphore(%arg7 : memref<!tpu.dma_semaphore, #tpu.memory_space<semaphore_mem>>) src(%dma_wait3A_757 : memref<100096xf32, #tpu.memory_space<hbm>>) dst(%dma_wait3A_751 : memref<128xf32, #tpu.memory_space<vmem>>)
      %mul3A_758 = arith.constant 16 : i32
      %mul3A_759 = arith.muli %scan3A_14, %mul3A_758 : i32
      %add3A_760 = arith.constant 13 : i32
      %add3A_761 = arith.addi %mul3A_759, %add3A_760 : i32
      %jit3A_762 = arith.constant 8 : i32
      %div3A_763 = arith.divsi %add3A_761, %jit3A_762 : i32
      %sign3A_764 = arith.constant 0 : i32
      %sign3A_765 = arith.cmpi sgt, %add3A_761, %sign3A_764 : i32
      %sign3A_766 = arith.extui %sign3A_765 : i1 to i32
      %sign3A_767 = arith.constant 0 : i32
      %sign3A_768 = arith.cmpi slt, %add3A_761, %sign3A_767 : i32
      %sign3A_769 = arith.extui %sign3A_768 : i1 to i32
      %sign3A_770 = arith.subi %sign3A_766, %sign3A_769 : i32
      %sign3A_771 = arith.constant 0 : i32
      %sign3A_772 = arith.cmpi sgt, %jit3A_762, %sign3A_771 : i32
      %sign3A_773 = arith.extui %sign3A_772 : i1 to i32
      %sign3A_774 = arith.constant 0 : i32
      %sign3A_775 = arith.cmpi slt, %jit3A_762, %sign3A_774 : i32
      %sign3A_776 = arith.extui %sign3A_775 : i1 to i32
      %sign3A_777 = arith.subi %sign3A_773, %sign3A_776 : i32
      %ne3A_778 = arith.cmpi ne, %sign3A_770, %sign3A_777 : i32
      %rem3A_779 = arith.remsi %add3A_761, %jit3A_762 : i32
      %ne3A_780 = arith.constant 0 : i32
      %ne3A_781 = arith.cmpi ne, %rem3A_779, %ne3A_780 : i32
      %and3A_782 = arith.andi %ne3A_778, %ne3A_781 : i1
      %sub3A_783 = arith.constant 1 : i32
      %sub3A_784 = arith.subi %div3A_763, %sub3A_783 : i32
      %select_n3A_785 = arith.select %and3A_782, %sub3A_784, %div3A_763 : i32
      %mul3A_786 = arith.constant 800768 : i32
      %mul3A_787 = arith.muli %select_n3A_785, %mul3A_786 : i32
      %jit3A_788 = arith.constant 8 : i32
      %eq3A_789 = arith.constant 0 : i32
      %eq3A_790 = arith.cmpi eq, %jit3A_788, %eq3A_789 : i32
      %jit3A_791 = arith.constant 1 : i32
      %select_n3A_792 = arith.select %eq3A_790, %jit3A_791, %jit3A_788 : i32
      %rem3A_793 = arith.remsi %add3A_761, %select_n3A_792 : i32
      %ne3A_794 = arith.constant 0 : i32
      %ne3A_795 = arith.cmpi ne, %rem3A_793, %ne3A_794 : i32
      %lt3A_796 = arith.constant 0 : i32
      %lt3A_797 = arith.cmpi slt, %rem3A_793, %lt3A_796 : i32
      %lt3A_798 = arith.constant 0 : i32
      %lt3A_799 = arith.cmpi slt, %select_n3A_792, %lt3A_798 : i32
      %ne3A_800 = arith.xori %lt3A_797, %lt3A_799 : i1
      %and3A_801 = arith.andi %ne3A_800, %ne3A_795 : i1
      %add3A_802 = arith.addi %rem3A_793, %select_n3A_792 : i32
      %select_n3A_803 = arith.select %and3A_801, %add3A_802, %rem3A_793 : i32
      %mul3A_804 = arith.constant 100096 : i32
      %mul3A_805 = arith.muli %select_n3A_803, %mul3A_804 : i32
      %add3A_806 = arith.addi %mul3A_787, %mul3A_805 : i32
      %dma_wait3A_807 = arith.constant 0 : i32
      %dma_wait3A_808 = tpu.memref_slice %arg6[%add3A_761, %dma_wait3A_807] : memref<208x128xf32, #tpu.memory_space<vmem>> -> memref<1x128xf32, #tpu.memory_space<vmem>>
      %dma_wait3A_809 = tpu.memref_squeeze %dma_wait3A_808 : memref<1x128xf32, #tpu.memory_space<vmem>> -> memref<128xf32, #tpu.memory_space<vmem>>
      %dma_wait3A_810 = arith.constant 0 : i32
      %dma_wait3A_811 = tpu.memref_slice %arg5[%scan3A_14, %dma_wait3A_810] : memref<13x128xi32, #tpu.memory_space<vmem>> -> memref<1x128xi32, #tpu.memory_space<vmem>>
      %dma_wait3A_812 = tpu.memref_squeeze %dma_wait3A_811 : memref<1x128xi32, #tpu.memory_space<vmem>> -> memref<128xi32, #tpu.memory_space<vmem>>
      %dma_wait3A_813 = tpu.memref_slice %arg2[%add3A_806] : memref<20819968xf32, #tpu.memory_space<hbm>> -> memref<100096xf32, #tpu.memory_space<hbm>>
      %dma_wait3A_814 = arith.constant 0 : i32
      %dma_wait3A_815 = tpu.memref_slice %dma_wait3A_813[%dma_wait3A_814] : memref<100096xf32, #tpu.memory_space<hbm>> -> memref<100096xf32, #tpu.memory_space<hbm>>
      tpu.wait_indirect_dma semaphore(%arg7 : memref<!tpu.dma_semaphore, #tpu.memory_space<semaphore_mem>>) src(%dma_wait3A_815 : memref<100096xf32, #tpu.memory_space<hbm>>) dst(%dma_wait3A_809 : memref<128xf32, #tpu.memory_space<vmem>>)
      %mul3A_816 = arith.constant 16 : i32
      %mul3A_817 = arith.muli %scan3A_14, %mul3A_816 : i32
      %add3A_818 = arith.constant 14 : i32
      %add3A_819 = arith.addi %mul3A_817, %add3A_818 : i32
      %jit3A_820 = arith.constant 8 : i32
      %div3A_821 = arith.divsi %add3A_819, %jit3A_820 : i32
      %sign3A_822 = arith.constant 0 : i32
      %sign3A_823 = arith.cmpi sgt, %add3A_819, %sign3A_822 : i32
      %sign3A_824 = arith.extui %sign3A_823 : i1 to i32
      %sign3A_825 = arith.constant 0 : i32
      %sign3A_826 = arith.cmpi slt, %add3A_819, %sign3A_825 : i32
      %sign3A_827 = arith.extui %sign3A_826 : i1 to i32
      %sign3A_828 = arith.subi %sign3A_824, %sign3A_827 : i32
      %sign3A_829 = arith.constant 0 : i32
      %sign3A_830 = arith.cmpi sgt, %jit3A_820, %sign3A_829 : i32
      %sign3A_831 = arith.extui %sign3A_830 : i1 to i32
      %sign3A_832 = arith.constant 0 : i32
      %sign3A_833 = arith.cmpi slt, %jit3A_820, %sign3A_832 : i32
      %sign3A_834 = arith.extui %sign3A_833 : i1 to i32
      %sign3A_835 = arith.subi %sign3A_831, %sign3A_834 : i32
      %ne3A_836 = arith.cmpi ne, %sign3A_828, %sign3A_835 : i32
      %rem3A_837 = arith.remsi %add3A_819, %jit3A_820 : i32
      %ne3A_838 = arith.constant 0 : i32
      %ne3A_839 = arith.cmpi ne, %rem3A_837, %ne3A_838 : i32
      %and3A_840 = arith.andi %ne3A_836, %ne3A_839 : i1
      %sub3A_841 = arith.constant 1 : i32
      %sub3A_842 = arith.subi %div3A_821, %sub3A_841 : i32
      %select_n3A_843 = arith.select %and3A_840, %sub3A_842, %div3A_821 : i32
      %mul3A_844 = arith.constant 800768 : i32
      %mul3A_845 = arith.muli %select_n3A_843, %mul3A_844 : i32
      %jit3A_846 = arith.constant 8 : i32
      %eq3A_847 = arith.constant 0 : i32
      %eq3A_848 = arith.cmpi eq, %jit3A_846, %eq3A_847 : i32
      %jit3A_849 = arith.constant 1 : i32
      %select_n3A_850 = arith.select %eq3A_848, %jit3A_849, %jit3A_846 : i32
      %rem3A_851 = arith.remsi %add3A_819, %select_n3A_850 : i32
      %ne3A_852 = arith.constant 0 : i32
      %ne3A_853 = arith.cmpi ne, %rem3A_851, %ne3A_852 : i32
      %lt3A_854 = arith.constant 0 : i32
      %lt3A_855 = arith.cmpi slt, %rem3A_851, %lt3A_854 : i32
      %lt3A_856 = arith.constant 0 : i32
      %lt3A_857 = arith.cmpi slt, %select_n3A_850, %lt3A_856 : i32
      %ne3A_858 = arith.xori %lt3A_855, %lt3A_857 : i1
      %and3A_859 = arith.andi %ne3A_858, %ne3A_853 : i1
      %add3A_860 = arith.addi %rem3A_851, %select_n3A_850 : i32
      %select_n3A_861 = arith.select %and3A_859, %add3A_860, %rem3A_851 : i32
      %mul3A_862 = arith.constant 100096 : i32
      %mul3A_863 = arith.muli %select_n3A_861, %mul3A_862 : i32
      %add3A_864 = arith.addi %mul3A_845, %mul3A_863 : i32
      %dma_wait3A_865 = arith.constant 0 : i32
      %dma_wait3A_866 = tpu.memref_slice %arg6[%add3A_819, %dma_wait3A_865] : memref<208x128xf32, #tpu.memory_space<vmem>> -> memref<1x128xf32, #tpu.memory_space<vmem>>
      %dma_wait3A_867 = tpu.memref_squeeze %dma_wait3A_866 : memref<1x128xf32, #tpu.memory_space<vmem>> -> memref<128xf32, #tpu.memory_space<vmem>>
      %dma_wait3A_868 = arith.constant 0 : i32
      %dma_wait3A_869 = tpu.memref_slice %arg5[%scan3A_14, %dma_wait3A_868] : memref<13x128xi32, #tpu.memory_space<vmem>> -> memref<1x128xi32, #tpu.memory_space<vmem>>
      %dma_wait3A_870 = tpu.memref_squeeze %dma_wait3A_869 : memref<1x128xi32, #tpu.memory_space<vmem>> -> memref<128xi32, #tpu.memory_space<vmem>>
      %dma_wait3A_871 = tpu.memref_slice %arg2[%add3A_864] : memref<20819968xf32, #tpu.memory_space<hbm>> -> memref<100096xf32, #tpu.memory_space<hbm>>
      %dma_wait3A_872 = arith.constant 0 : i32
      %dma_wait3A_873 = tpu.memref_slice %dma_wait3A_871[%dma_wait3A_872] : memref<100096xf32, #tpu.memory_space<hbm>> -> memref<100096xf32, #tpu.memory_space<hbm>>
      tpu.wait_indirect_dma semaphore(%arg7 : memref<!tpu.dma_semaphore, #tpu.memory_space<semaphore_mem>>) src(%dma_wait3A_873 : memref<100096xf32, #tpu.memory_space<hbm>>) dst(%dma_wait3A_867 : memref<128xf32, #tpu.memory_space<vmem>>)
      %mul3A_874 = arith.constant 16 : i32
      %mul3A_875 = arith.muli %scan3A_14, %mul3A_874 : i32
      %add3A_876 = arith.constant 15 : i32
      %add3A_877 = arith.addi %mul3A_875, %add3A_876 : i32
      %jit3A_878 = arith.constant 8 : i32
      %div3A_879 = arith.divsi %add3A_877, %jit3A_878 : i32
      %sign3A_880 = arith.constant 0 : i32
      %sign3A_881 = arith.cmpi sgt, %add3A_877, %sign3A_880 : i32
      %sign3A_882 = arith.extui %sign3A_881 : i1 to i32
      %sign3A_883 = arith.constant 0 : i32
      %sign3A_884 = arith.cmpi slt, %add3A_877, %sign3A_883 : i32
      %sign3A_885 = arith.extui %sign3A_884 : i1 to i32
      %sign3A_886 = arith.subi %sign3A_882, %sign3A_885 : i32
      %sign3A_887 = arith.constant 0 : i32
      %sign3A_888 = arith.cmpi sgt, %jit3A_878, %sign3A_887 : i32
      %sign3A_889 = arith.extui %sign3A_888 : i1 to i32
      %sign3A_890 = arith.constant 0 : i32
      %sign3A_891 = arith.cmpi slt, %jit3A_878, %sign3A_890 : i32
      %sign3A_892 = arith.extui %sign3A_891 : i1 to i32
      %sign3A_893 = arith.subi %sign3A_889, %sign3A_892 : i32
      %ne3A_894 = arith.cmpi ne, %sign3A_886, %sign3A_893 : i32
      %rem3A_895 = arith.remsi %add3A_877, %jit3A_878 : i32
      %ne3A_896 = arith.constant 0 : i32
      %ne3A_897 = arith.cmpi ne, %rem3A_895, %ne3A_896 : i32
      %and3A_898 = arith.andi %ne3A_894, %ne3A_897 : i1
      %sub3A_899 = arith.constant 1 : i32
      %sub3A_900 = arith.subi %div3A_879, %sub3A_899 : i32
      %select_n3A_901 = arith.select %and3A_898, %sub3A_900, %div3A_879 : i32
      %mul3A_902 = arith.constant 800768 : i32
      %mul3A_903 = arith.muli %select_n3A_901, %mul3A_902 : i32
      %jit3A_904 = arith.constant 8 : i32
      %eq3A_905 = arith.constant 0 : i32
      %eq3A_906 = arith.cmpi eq, %jit3A_904, %eq3A_905 : i32
      %jit3A_907 = arith.constant 1 : i32
      %select_n3A_908 = arith.select %eq3A_906, %jit3A_907, %jit3A_904 : i32
      %rem3A_909 = arith.remsi %add3A_877, %select_n3A_908 : i32
      %ne3A_910 = arith.constant 0 : i32
      %ne3A_911 = arith.cmpi ne, %rem3A_909, %ne3A_910 : i32
      %lt3A_912 = arith.constant 0 : i32
      %lt3A_913 = arith.cmpi slt, %rem3A_909, %lt3A_912 : i32
      %lt3A_914 = arith.constant 0 : i32
      %lt3A_915 = arith.cmpi slt, %select_n3A_908, %lt3A_914 : i32
      %ne3A_916 = arith.xori %lt3A_913, %lt3A_915 : i1
      %and3A_917 = arith.andi %ne3A_916, %ne3A_911 : i1
      %add3A_918 = arith.addi %rem3A_909, %select_n3A_908 : i32
      %select_n3A_919 = arith.select %and3A_917, %add3A_918, %rem3A_909 : i32
      %mul3A_920 = arith.constant 100096 : i32
      %mul3A_921 = arith.muli %select_n3A_919, %mul3A_920 : i32
      %add3A_922 = arith.addi %mul3A_903, %mul3A_921 : i32
      %dma_wait3A_923 = arith.constant 0 : i32
      %dma_wait3A_924 = tpu.memref_slice %arg6[%add3A_877, %dma_wait3A_923] : memref<208x128xf32, #tpu.memory_space<vmem>> -> memref<1x128xf32, #tpu.memory_space<vmem>>
      %dma_wait3A_925 = tpu.memref_squeeze %dma_wait3A_924 : memref<1x128xf32, #tpu.memory_space<vmem>> -> memref<128xf32, #tpu.memory_space<vmem>>
      %dma_wait3A_926 = arith.constant 0 : i32
      %dma_wait3A_927 = tpu.memref_slice %arg5[%scan3A_14, %dma_wait3A_926] : memref<13x128xi32, #tpu.memory_space<vmem>> -> memref<1x128xi32, #tpu.memory_space<vmem>>
      %dma_wait3A_928 = tpu.memref_squeeze %dma_wait3A_927 : memref<1x128xi32, #tpu.memory_space<vmem>> -> memref<128xi32, #tpu.memory_space<vmem>>
      %dma_wait3A_929 = tpu.memref_slice %arg2[%add3A_922] : memref<20819968xf32, #tpu.memory_space<hbm>> -> memref<100096xf32, #tpu.memory_space<hbm>>
      %dma_wait3A_930 = arith.constant 0 : i32
      %dma_wait3A_931 = tpu.memref_slice %dma_wait3A_929[%dma_wait3A_930] : memref<100096xf32, #tpu.memory_space<hbm>> -> memref<100096xf32, #tpu.memory_space<hbm>>
      tpu.wait_indirect_dma semaphore(%arg7 : memref<!tpu.dma_semaphore, #tpu.memory_space<semaphore_mem>>) src(%dma_wait3A_931 : memref<100096xf32, #tpu.memory_space<hbm>>) dst(%dma_wait3A_925 : memref<128xf32, #tpu.memory_space<vmem>>)
    }
    %scan3A_13 = arith.constant 13 : i32
    "tpu.region"() ({
      %run_scoped3A = tpu.sem_alloc : memref<!tpu.dma_semaphore, #tpu.memory_space<semaphore_mem>>
      %dma_start3A = arith.constant 0 : i32
      %dma_start3A_14 = tpu.memref_slice %arg4[%dma_start3A, %mul3A_2] : memref<208x4096xf32, #tpu.memory_space<hbm>> -> memref<208x128xf32, #tpu.memory_space<hbm>>
      %dma_start3A_15 = arith.constant 0 : i32
      %dma_start3A_16 = tpu.memref_slice %arg4[%dma_start3A_15, %mul3A_2] : memref<208x4096xf32, #tpu.memory_space<hbm>> -> memref<208x128xf32, #tpu.memory_space<hbm>>
      tpu.enqueue_dma source(%arg6 : memref<208x128xf32, #tpu.memory_space<vmem>>) target(%dma_start3A_16 : memref<208x128xf32, #tpu.memory_space<hbm>>) target_semaphore(%run_scoped3A : memref<!tpu.dma_semaphore, #tpu.memory_space<semaphore_mem>>)
      %dma_wait3A = arith.constant 0 : i32
      %dma_wait3A_17 = tpu.memref_slice %arg4[%dma_wait3A, %mul3A_2] : memref<208x4096xf32, #tpu.memory_space<hbm>> -> memref<208x128xf32, #tpu.memory_space<hbm>>
      %dma_wait3A_18 = arith.constant 0 : i32
      %dma_wait3A_19 = tpu.memref_slice %arg4[%dma_wait3A_18, %mul3A_2] : memref<208x4096xf32, #tpu.memory_space<hbm>> -> memref<208x128xf32, #tpu.memory_space<hbm>>
      tpu.wait_dma2 semaphore(%run_scoped3A : memref<!tpu.dma_semaphore, #tpu.memory_space<semaphore_mem>>) src(%arg6 : memref<208x128xf32, #tpu.memory_space<vmem>>) dst(%dma_wait3A_19 : memref<208x128xf32, #tpu.memory_space<hbm>>)
      tpu.yield
    }) : () -> ()
    return
  }
}

</mosaic_0001>

<sc_bundles>
// kernel: _gather_planes.3.cloned.1.call-start
scs
__scs_entry_jumppad:
0x0: {  	(pc) =	sbr.rel $0x88, $3  }
0x1: {  	(tag) =	ssettag $0x0;
	lr =	simm.s32 $0x1  }
0x2: {  	[smem:$0x3F9F] =	sst lr;
	_ =	strace $0xD0000000  }
0x3: {  	_ = 	snop  }
0x4: {  	_ = 	snop  }
0x5: {  	_ = 	snop  }
0x6: {  	_ = 	snop  }
0x7: {  	_ = 	snop  }
__scs_overlays_trampoline_lowered:
0x8: {  	[smem:$0x3FAE] =	sst s0  }
0x9: {  	[smem:$0x3FAF] =	sst s1  }
0xa: {  	[smem:$0x3FB0] =	sst s2  }
0xb: {  	[smem:$0x3FB1] =	sst s3  }
0xc: {  	[smem:$0x3FB2] =	sst s4  }
0xd: {  	[smem:$0x3FB3] =	sst s5  }
0xe: {  	[smem:$0x3FB4] =	sst s6  }
0xf: {  	[smem:$0x3FB5] =	sst s7  }
0x10: {  	[smem:$0x3FB6] =	sst s8  }
0x11: {  	[smem:$0x3FB7] =	sst s9;
	s0 =	simm.s32 @!p0 $0x0  }
0x12: {  	s1 =	sld [smem:$0x3F9D];
	s0 =	simm.s32 @p0 $0x1  }
0x13: {  	[smem:$0x3FB8] =	sst s0;
	s0 =	simm.s32 @!p1 $0x0  }
0x14: {  	s2 =	sld [smem:$0x3F9C];
	s0 =	simm.s32 @p1 $0x1  }
0x15: {  	[smem:$0x3FB9] =	sst s0;
	s0 =	simm.s32 @!p2 $0x0  }
0x16: {  	s3 =	sld [smem:$0x3FDB];
	s0 =	simm.s32 @p2 $0x1  }
0x17: {  	s4 =	simm.s32 $0x1BF5;
	[smem:$0x3FBB] =	sst s0  }
0x18: {  	s0 =	sld [smem:$0x3F9E];
	_ =	swait.ge [sflag:s4], $0x0  }
0x19: {  	s7 =	sld [smem:$0x3F9F]  }
0x1a: {  	s8 =	sadd.s32 $0xFFFFE003, lr  }
0x1b: {  	s9 =	sadd.s32 $0xFFFFFEF7, lr;
	s5 =	simm.s32 $0xFFFFFFFF;
	p2 =	slt.u32 s8, $0xFFFFF086  }
0x1c: {  	p1 =	slt.u32 s9, $0xF7A;
	s5 =	simm.s32 @!p2 $0x0  }
0x1d: {  	s5 =	simm.s32 @p1 $0x1;
	p0 =	seq.s32 s7, s2  }
0x1e: {  	s7 =	smul.u32 @!p0 $0xF7A, s2;
	p2 =	seq.s32 @!p0 s5, $0x0  }
0x1f: {  	s9 =	smul.u32 $0xF7A, s1;
	s8 =	simm.s32 @!p0 $0x1BF5;
	p2 =	por !p2, p0  }
0x20: {  	[sflag:s8] =	ssyncset.s32 @!p0 $0xFFFFF086;
	s6 =	sadd.s32 @!p0 s3, s7;
	s7 =	simm.s32 @!p0 $0x108  }
0x21: {  	s3 =	sadd.s32 s3, s9;
	s6 =	sadd.s32 @!p0 $0x88, s6;
	s7 =	simm.s32 @p2 $0x1082  }
0x22: {  	[simem:s7], [sflag:s8] =	dma.local @!p0 [hbm:s6], $0xF7A  }
0x23: {  	s9 =	sor.u32 $0xD0000000, s2;
	s6 =	simm.s32 $0x108;
	_ =	swait.ge @!p0 [sflag:s8], $0x0  }
0x24: {  	s3 =	sadd.s32 $0x88, s3;
	s6 =	simm.s32 @!p1 $0x1082;
	[sflag:s4] =	ssyncset.s32 $0xFFFFF086  }
0x25: {  	[simem:s6], [sflag:s4] =	dma.local [hbm:s3], $0xF7A  }
0x26: {  	[smem:$0x3F9F] =	sst s1;
	(tag) =	ssettag s2;
	_ =	strace s9  }
0x27: {  	s1 =	sld [smem:$0x3FAF]  }
0x28: {  	s2 =	sld [smem:$0x3FB0]  }
0x29: {  	s4 =	sld [smem:$0x3FB2]  }
0x2a: {  	p0 =	seq.s32 s5, $0x0;
	s5 =	sld [smem:$0x3FB3]  }
0x2b: {  	s6 =	sld [smem:$0x3FB4]  }
0x2c: {  	s7 =	sld [smem:$0x3FB5]  }
0x2d: {  	s3 =	simm.s32 $0x108;
	s8 =	sld [smem:$0x3FB6]  }
0x2e: {  	s3 =	simm.s32 @!p0 $0x1082;
	s9 =	sld [smem:$0x3FB7]  }
0x2f: {  	lr =	sadd.s32 s0, s3;
	s0 =	sld [smem:$0x3FAE]  }
0x30: {  	s3 =	sld [smem:$0x3FB1]  }
0x31: {  	[smem:$0x3FBA] =	sst s10  }
0x32: {  	s10 =	sld [smem:$0x3FB8];
	_ =	sdelay $0x3  }
0x33: {  	p0 =	seq.s32 s10, $0x1;
	s10 =	sld [smem:$0x3FBA];
	_ =	sdelay $0x3  }
0x34: {  	[smem:$0x3FBA] =	sst s10  }
0x35: {  	s10 =	sld [smem:$0x3FB9];
	_ =	sdelay $0x3  }
0x36: {  	p1 =	seq.s32 s10, $0x1;
	s10 =	sld [smem:$0x3FBA];
	_ =	sdelay $0x3  }
0x37: {  	[smem:$0x3FBA] =	sst s10  }
0x38: {  	s10 =	sld [smem:$0x3FBB]  }
0x39: {  	_ = 	snop;
	(pc) =	sbr.ind lr, $3  }
0x3a: {  	_ = 	snop  }
0x3b: {  	_ = 	snop  }
0x3c: {  	p2 =	seq.s32 s10, $0x1;
	s10 =	sld [smem:$0x3FBA]  }
0x3d: {  	_ =	shalt  }
0x3e: {  	_ =	shalt  }
0x3f: {  	_ =	shalt  }
0x40: {  	_ =	shalt  }
0x41: {  	_ =	shalt  }
0x42: {  	_ =	shalt  }
0x43: {  	_ =	shalt  }
0x44: {  	_ =	shalt  }
0x45: {  	_ =	shalt  }
0x46: {  	_ =	shalt  }
0x47: {  	_ =	shalt  }
0x48: {  	_ =	shalt  }
0x49: {  	_ =	shalt  }
0x4a: {  	_ =	shalt  }
0x4b: {  	_ =	shalt  }
0x4c: {  	_ =	shalt  }
0x4d: {  	_ =	shalt  }
0x4e: {  	_ =	shalt  }
0x4f: {  	_ =	shalt  }
0x50: {  	_ =	shalt  }
0x51: {  	_ =	shalt  }
0x52: {  	_ =	shalt  }
0x53: {  	_ =	shalt  }
0x54: {  	_ =	shalt  }
0x55: {  	_ =	shalt  }
0x56: {  	_ =	shalt  }
0x57: {  	_ =	shalt  }
0x58: {  	_ =	shalt  }
0x59: {  	_ =	shalt  }
0x5a: {  	_ =	shalt  }
0x5b: {  	_ =	shalt  }
0x5c: {  	_ =	shalt  }
0x5d: {  	_ =	shalt  }
0x5e: {  	_ =	shalt  }
0x5f: {  	_ =	shalt  }
0x60: {  	_ =	shalt  }
0x61: {  	_ =	shalt  }
0x62: {  	_ =	shalt  }
0x63: {  	_ =	shalt  }
0x64: {  	_ =	shalt  }
0x65: {  	_ =	shalt  }
0x66: {  	_ =	shalt  }
0x67: {  	_ =	shalt  }
0x68: {  	_ =	shalt  }
0x69: {  	_ =	shalt  }
0x6a: {  	_ =	shalt  }
0x6b: {  	_ =	shalt  }
0x6c: {  	_ =	shalt  }
0x6d: {  	_ =	shalt  }
0x6e: {  	_ =	shalt  }
0x6f: {  	_ =	shalt  }
0x70: {  	_ =	shalt  }
0x71: {  	_ =	shalt  }
0x72: {  	_ =	shalt  }
0x73: {  	_ =	shalt  }
0x74: {  	_ =	shalt  }
0x75: {  	_ =	shalt  }
0x76: {  	_ =	shalt  }
0x77: {  	_ =	shalt  }
0x78: {  	_ =	shalt  }
0x79: {  	_ =	shalt  }
0x7a: {  	_ =	shalt  }
0x7b: {  	_ =	shalt  }
0x7c: {  	_ =	shalt  }
0x7d: {  	_ =	shalt  }
0x7e: {  	_ =	shalt  }
0x7f: {  	_ =	shalt  }
0x80: {  	_ =	shalt  }
0x81: {  	_ =	shalt  }
0x82: {  	_ =	shalt  }
0x83: {  	_ =	shalt  }
0x84: {  	_ =	shalt  }
0x85: {  	_ =	shalt  }
0x86: {  	_ =	shalt  }
0x87: {  	_ =	shalt  }
.Lfunc_end0:
.L_simem_size_0:
called_computation_lowered:
.L_overlay_start_0:
0x88: {  	s2 =	sld [smem:$0x3FD9]  }
0x89: {  	s3 =	sld [smem:$0x3FFE];
	_ =	sdelay $0x1  }
0x8a: {  	s1 =	srdreg.scid  }
0x8b: {  	s0 =	sand.u32 $0x1, s1  }
0x8c: {  	s17 =	sshll.u32 s0, $0xA;
	s2 =	sadd.s32 s3, s2  }
0x8d: {  	s2 =	sadd.s32 s2, s17  }
0x8e: {  	[smem:$0x3FC6] =	sst s2  }
0x8f: {  	_ = 	snop  }
0x90: {  	s2 =	sld [smem:$0x3FC9]  }
0x91: {  	s18 =	sld [smem:$0x3FD0];
	(tm) =	ssettm $0x1  }
0x92: {  	s4 =	sld [smem:$0x3FFB];
	_ =	sdelay $0x3  }
0x93: {  	_ =	strace s4  }
0x94: {  	s4 =	sld [smem:$0x3FFC];
	_ =	sdelay $0x3  }
0x95: {  	_ =	strace s4  }
0x96: {  	s4 =	sld [smem:$0x3FFD];
	_ =	sdelay $0x3  }
0x97: {  	_ =	strace s4  }
0x98: {  	_ =	strace $0x8FFFFFFF  }
0x99: {  	s19 =	sld [smem:$0x3FDB];
	_ =	sdelay $0x1  }
0x9a: {  	s5 =	simm.s32 $_scs_section_size  }
0x9b: {  	s6 =	simm.s32 $_size__tile_overlayer_lowered;
	s7 =	simm.s32 $_tile_overlayer_lowered  }
0x9c: {  	s22 =	simm.s32 $0x1BFF;
	s21 =	sshll.u32 s7, $0x1;
	s4 =	sadd.s32 s5, s19  }
0x9d: {  	s8 =	simm.s32 $0x0;
	s20 =	sshll.u32 s6, $0x1;
	s6 =	sadd.s32 s21, s4  }
0x9e: {  	[timem:s8], [sflag:s22] =	dma.local [hbm:s6], s20  }
0x9f: {  	_ =	swait.ge [sflag:s22], s20  }
0xa0: {  	s5 =	ssub.s32 $0x0, s20;
	[sflag:s22] =	ssyncset.done $0x0  }
0xa1: {  	[sflag:s22] =	ssyncadd.s32 s5;
	_ =	sdelay $0x1  }
0xa2: {  	s23 =	simm.s32 $0x1B8B  }
0xa3: {  	_ =	swait.ge [sflag:s23], $0x1  }
0xa4: {  	[sflag:s23] =	ssyncset.done $0x0  }
0xa5: {  	s25 =	simm.s32 $0x1B8E;
	s24 =	sld [smem:$0x3FFE];
	[sflag:s23] =	ssyncadd.s32 $0xFFFFFFFF  }
0xa6: {  	s26 =	simm.s32 $execute0_lowered;
	[smem:$0x3FD2] =	sst s25  }
0xa7: {  	s6 =	sshll.u32 s26, $0x1;
	_ =	strace $0x80000046;
	[dreg:$0x1] =	wrdreg $0xFFFFFFFF  }
0xa8: {  	s28 =	simm.s32 $_size_execute0_lowered;
	s4 =	sadd.s32 s4, s6;
	[dreg:$0x0] =	wrdreg $0x0  }
0xa9: {  	s6 =	sshll.u32 s28, $0x1;
	[dreg:$0x2] =	wrdreg s4  }
0xaa: {  	[dreg:$0x3] =	wrdreg s6  }
0xab: {  	[dreg:$0x4] =	wrdreg $0xC0  }
0xac: {  	_ =	task [dreg:s8], $0x5FFFF  }
0xad: {  	[dreg:$0x1] =	wrdreg $0xFFFFFFFF  }
0xae: {  	[dreg:$0x0] =	wrdreg $0x60  }
0xaf: {  	[dreg:$0x2] =	wrdreg s2  }
0xb0: {  	[dreg:$0x3] =	wrdreg s18  }
0xb1: {  	[dreg:$0x4] =	wrdreg s24  }
0xb2: {  	[dreg:$0x5] =	wrdreg $0x9  }
0xb3: {  	_ =	task.clear_ibuf [dreg:s8], $0x6FFFF;
	_ =	strace $0x90000046  }
0xb4: {  	s29 =	simm.s32 $0x9;
	_ =	strace $0x80000048  }
0xb5: {  	_ =	swait.ge [sflag:s29], $0x1  }
0xb6: {  	[sflag:s29] =	ssyncadd.s32 $0xFFFFFFFF  }
0xb7: {  	_ =	strace $0x90000048  }
0xb8: {  	_ =	sfence  }
0xb9: {  	s30 =	sld [smem:$0x0];
	_ =	sdelay $0x2  }
0xba: {  	s31 =	sshll.u32 s1, $0xD;
	s1 =	sshrl.u32 s1, $0x2  }
0xbb: {  	s3 =	sand.u32 $0x4000, s31;
	s1 =	sadd.s32 s1, s30  }
0xbc: {  	s0 =	sor.u32 s3, s0;
	s1 =	sshll.u32 s1, $0x11  }
0xbd: {  	s0 =	sor.u32 s1, s0  }
0xbe: {  	s0 =	sadd.s32 $0x8F2B, s0  }
0xbf: {  	[sflag:s0] =	ssyncadd.remote.s32 $0x1  }
0xc0: {  	_ =	sfence.sel $0xFFFF  }
0xc1: {  	[dreg:$0x0] =	wrdreg $0xFFFFFFFF;
	(pc) =	sbr.abs _section_cstart, $3  }
0xc2: {  	[dreg:$0x1] =	wrdreg $0xFFFFFFFF  }
0xc3: {  	_ =	task.clear_ibuf [dreg:s8], $0x2FFFF;
	_ =	strace $0x9FFFFFFF  }
0xc4: {  	(tm) =	ssettm $0x7FFFFFFF  }
0xc5: {  	_ =	shalt  }
tec
execute0_lowered:
.L_overlay_start_1:
0x0: {  	(tag) =	ssettag $0x1  }
0x1: {  	s6 =	rddreg [dreg:$0x0]  }
0x2: {  	s3 =	rddreg [dreg:$0x1]  }
0x3: {  	s1 =	srdreg.scid;
	s0 =	stileid.u32  }
0x4: {  	s4 =	rddreg [dreg:$0x2];
	s2 =	simm.s32 $0x0;
	s10 =	simm.s32 $0x1000  }
0x5: {  	s11 =	simm.s32 $0x680;
	s5 =	sand.u32 $0x1, s1;
	s1 =	rddreg [dreg:$0x3]  }
0x6: {  	s12 =	simm.s32 $0x0;
	s7 =	sshll.u32 s0, $0x1;
	[smem:$0x7FF] =	sst s2  }
0x7: {  	s6 =	sadd.s32 $0x2DD20, s6;
	s7 =	sor.u32 s5, s7;
	s5 =	ssub.s32 $0x2, s5  }
0x8: {  	s8 =	smul.u32 $0xD0, s7;
	s7 =	sshll.u32 s7, $0x4;
	s9 =	sshrl.u32 s5, $0x1  }
0x9: {  	_ =	strace $0x80000047;
	s4 =	sadd.s32 s7, s4;
	s5 =	ssub.s32 s5, s9  }
0xa: {  	s7 =	simm.s32 $0x2;
	s9 =	simm.s32 $0x1;
	s3 =	sadd.s32 s3, s8  }
0xb: {  	s4 =	sadd.s32 $0x400, s4;
	s5 =	smax.u32 s5, $0x1;
	s8 =	simm.s32 $0x80  }
.LBB2_1:
0xc: {  	[tilespmem:s2], [sflag:$0x2] =	stream.linear.gather [hbm4b:s3+s2], $0x680, $0x38;
	[tilespmem:$0x6E80] =	vst v63  }
0xd: {  	_ =	swait.ge [sflag:s7], $0x680  }
0xe: {  	[sflag:s7] =	ssyncset.done $0x0  }
0xf: {  	s13 =	sadd.s32 $0xFFFD22E0, s6;
	s14 =	simm.s32 $0x680;
	[sflag:s7] =	ssyncadd.s32 $0xFFFFF980  }
0x10: {  	[tilespmem:s14], [sflag:$0x1] =	stream.indirect.gather [hbm4b:s13+s8], $0x1, s2, s8, $0xb8;
	[tilespmem:$0x6E80] =	vst v63  }
0x11: {  	s21 =	sadd.s32 $0xFFFD53C0, s6;
	s22 =	simm.s32 $0x700  }
0x12: {  	[tilespmem:s22], [sflag:$0x1] =	stream.indirect.gather [hbm4b:s21+s8], $0x1, s2, s8, $0xb8;
	[tilespmem:$0x6E80] =	vst v63  }
0x13: {  	s23 =	simm.s32 $0x780;
	s24 =	sadd.s32 $0xFFFD84A0, s6  }
0x14: {  	[tilespmem:s23], [sflag:$0x1] =	stream.indirect.gather [hbm4b:s24+s8], $0x1, s2, s8, $0xb8;
	[tilespmem:$0x6E80] =	vst v63  }
0x15: {  	s25 =	simm.s32 $0x800;
	s26 =	sadd.s32 $0xFFFDB580, s6  }
0x16: {  	[tilespmem:s25], [sflag:$0x1] =	stream.indirect.gather [hbm4b:s26+s8], $0x1, s2, s8, $0xb8;
	[tilespmem:$0x6E80] =	vst v63  }
0x17: {  	s28 =	simm.s32 $0x880;
	s29 =	sadd.s32 $0xFFFDE660, s6  }
0x18: {  	[tilespmem:s28], [sflag:$0x1] =	stream.indirect.gather [hbm4b:s29+s8], $0x1, s2, s8, $0xb8;
	[tilespmem:$0x6E80] =	vst v63  }
0x19: {  	s30 =	simm.s32 $0x900;
	s31 =	sadd.s32 $0xFFFE1740, s6  }
0x1a: {  	[tilespmem:s30], [sflag:$0x1] =	stream.indirect.gather [hbm4b:s31+s8], $0x1, s2, s8, $0xb8;
	[tilespmem:$0x6E80] =	vst v63  }
0x1b: {  	s15 =	simm.s32 $0x980;
	s16 =	sadd.s32 $0xFFFE4820, s6  }
0x1c: {  	[tilespmem:s15], [sflag:$0x1] =	stream.indirect.gather [hbm4b:s16+s8], $0x1, s2, s8, $0xb8;
	[tilespmem:$0x6E80] =	vst v63  }
0x1d: {  	s17 =	simm.s32 $0xA00;
	s18 =	sadd.s32 $0xFFFE7900, s6  }
0x1e: {  	[tilespmem:s17], [sflag:$0x1] =	stream.indirect.gather [hbm4b:s18+s8], $0x1, s2, s8, $0xb8;
	[tilespmem:$0x6E80] =	vst v63  }
0x1f: {  	s19 =	simm.s32 $0xA80;
	s20 =	sadd.s32 $0xFFFEA9E0, s6  }
0x20: {  	[tilespmem:s19], [sflag:$0x1] =	stream.indirect.gather [hbm4b:s20+s8], $0x1, s2, s8, $0xb8;
	[tilespmem:$0x6E80] =	vst v63  }
0x21: {  	s14 =	simm.s32 $0x800;
	s21 =	simm.s32 $0xB00;
	s22 =	sadd.s32 $0xFFFEDAC0, s6  }
0x22: {  	[tilespmem:s21], [sflag:$0x1] =	stream.indirect.gather [hbm4b:s22+s8], $0x1, s2, s8, $0xb8;
	[tilespmem:$0x6E80] =	vst v63  }
0x23: {  	s13 =	sadd.s32 $0x30E00, s6;
	s23 =	simm.s32 $0xB80;
	s24 =	sadd.s32 $0xFFFF0BA0, s6  }
0x24: {  	[tilespmem:s23], [sflag:$0x1] =	stream.indirect.gather [hbm4b:s24+s8], $0x1, s2, s8, $0xb8;
	[tilespmem:$0x6E80] =	vst v63  }
0x25: {  	s25 =	simm.s32 $0xC00;
	s26 =	sadd.s32 $0xFFFF3C80, s6;
	s28 =	simm.s32 $0xC80  }
0x26: {  	[tilespmem:s25], [sflag:$0x1] =	stream.indirect.gather [hbm4b:s26+s8], $0x1, s2, s8, $0xb8;
	[tilespmem:$0x6E80] =	vst v63  }
0x27: {  	s29 =	sadd.s32 $0xFFFF6D60, s6;
	s30 =	simm.s32 $0xD00;
	s31 =	simm.s32 $0xD80  }
0x28: {  	[tilespmem:s28], [sflag:$0x1] =	stream.indirect.gather [hbm4b:s29+s8], $0x1, s2, s8, $0xb8;
	[tilespmem:$0x6E80] =	vst v63  }
0x29: {  	s15 =	sadd.s32 $0xFFFF9E40, s6;
	s16 =	sadd.s32 $0xFFFFCF20, s6;
	s17 =	simm.s32 $0xE00  }
0x2a: {  	[tilespmem:s30], [sflag:$0x1] =	stream.indirect.gather [hbm4b:s15+s8], $0x1, s2, s8, $0xb8;
	[tilespmem:$0x6E80] =	vst v63  }
0x2b: {  	s20 =	simm.s32 $0x0;
	s21 =	simm.s32 $0x4000;
	s22 =	sadd.s32 $0xFFFD53C0, s13  }
0x2c: {  	[tilespmem:s31], [sflag:$0x1] =	stream.indirect.gather [hbm4b:s16+s8], $0x1, s2, s8, $0xb8;
	[tilespmem:$0x6E80] =	vst v63  }
0x2d: {  	s23 =	sadd.s32 $0xFFFD22E0, s13;
	s15 =	simm.s32 $0x80;
	s16 =	smov.u32 s6  }
.LBB2_2:
0x2e: {  	[tilespmem:s17], [sflag:$0x1] =	stream.indirect.gather [hbm4b:s16+s8], $0x1, s20, s8, $0xb8;
	[tilespmem:$0x6E80] =	vst v63  }
0x2f: {  	s18 =	smov.u32 s14;
	s14 =	smov.u32 s21;
	s16 =	smov.u32 s13  }
0x30: {  	s14 =	sadd.s32 $0x680, s18;
	s19 =	sadd.s32 $0x700, s18;
	s24 =	sadd.s32 $0x800, s18  }
0x31: {  	[tilespmem:s14], [sflag:$0x1] =	stream.indirect.gather [hbm4b:s23+s8], $0x1, s15, s8, $0xb8;
	[tilespmem:$0x6E80] =	vst v63  }
0x32: {  	s17 =	sadd.s32 $0xE00, s18;
	s14 =	sshra.s32 s21, $0x2;
	s23 =	sadd.s32 $0xA00, s18  }
0x33: {  	[tilespmem:s19], [sflag:$0x1] =	stream.indirect.gather [hbm4b:s22+s8], $0x1, s15, s8, $0xb8;
	[tilespmem:$0x6E80] =	vst v63  }
0x34: {  	s20 =	sadd.s32 $0x780, s18;
	s19 =	sadd.s32 $0x2000, s21;
	s22 =	sadd.s32 $0xFFFD84A0, s13  }
0x35: {  	[tilespmem:s20], [sflag:$0x1] =	stream.indirect.gather [hbm4b:s22+s8], $0x1, s15, s8, $0xb8;
	[tilespmem:$0x6E80] =	vst v63  }
0x36: {  	p0 =	sne.s32 s21, $0x18000;
	s21 =	sadd.s32 $0xFFFDB580, s13;
	s20 =	smov.u32 s15  }
0x37: {  	[tilespmem:s24], [sflag:$0x1] =	stream.indirect.gather [hbm4b:s21+s8], $0x1, s15, s8, $0xb8;
	[tilespmem:$0x6E80] =	vst v63  }
0x38: {  	s22 =	sadd.s32 $0xFFFDE660, s13;
	s21 =	sadd.s32 $0x880, s18  }
0x39: {  	[tilespmem:s21], [sflag:$0x1] =	stream.indirect.gather [hbm4b:s22+s8], $0x1, s15, s8, $0xb8;
	[tilespmem:$0x6E80] =	vst v63  }
0x3a: {  	s21 =	sadd.s32 $0x900, s18;
	s22 =	sadd.s32 $0xFFFE1740, s13  }
0x3b: {  	[tilespmem:s21], [sflag:$0x1] =	stream.indirect.gather [hbm4b:s22+s8], $0x1, s15, s8, $0xb8;
	[tilespmem:$0x6E80] =	vst v63  }
0x3c: {  	s21 =	sadd.s32 $0x980, s18;
	s22 =	sadd.s32 $0xFFFE4820, s13  }
0x3d: {  	[tilespmem:s21], [sflag:$0x1] =	stream.indirect.gather [hbm4b:s22+s8], $0x1, s15, s8, $0xb8;
	[tilespmem:$0x6E80] =	vst v63  }
0x3e: {  	s21 =	sadd.s32 $0xFFFE7900, s13  }
0x3f: {  	[tilespmem:s23], [sflag:$0x1] =	stream.indirect.gather [hbm4b:s21+s8], $0x1, s15, s8, $0xb8;
	[tilespmem:$0x6E80] =	vst v63  }
0x40: {  	s22 =	sadd.s32 $0xFFFEA9E0, s13;
	s21 =	sadd.s32 $0xA80, s18  }
0x41: {  	[tilespmem:s21], [sflag:$0x1] =	stream.indirect.gather [hbm4b:s22+s8], $0x1, s15, s8, $0xb8;
	[tilespmem:$0x6E80] =	vst v63  }
0x42: {  	s21 =	sadd.s32 $0xB00, s18;
	s22 =	sadd.s32 $0xFFFEDAC0, s13  }
0x43: {  	[tilespmem:s21], [sflag:$0x1] =	stream.indirect.gather [hbm4b:s22+s8], $0x1, s15, s8, $0xb8;
	[tilespmem:$0x6E80] =	vst v63  }
0x44: {  	s21 =	sadd.s32 $0xB80, s18;
	s22 =	sadd.s32 $0xFFFF0BA0, s13  }
0x45: {  	[tilespmem:s21], [sflag:$0x1] =	stream.indirect.gather [hbm4b:s22+s8], $0x1, s15, s8, $0xb8;
	[tilespmem:$0x6E80] =	vst v63  }
0x46: {  	s21 =	sadd.s32 $0xC00, s18;
	s22 =	sadd.s32 $0xFFFF3C80, s13  }
0x47: {  	[tilespmem:s21], [sflag:$0x1] =	stream.indirect.gather [hbm4b:s22+s8], $0x1, s15, s8, $0xb8;
	[tilespmem:$0x6E80] =	vst v63  }
0x48: {  	s21 =	sadd.s32 $0xC80, s18;
	s22 =	sadd.s32 $0xFFFF6D60, s13  }
0x49: {  	[tilespmem:s21], [sflag:$0x1] =	stream.indirect.gather [hbm4b:s22+s8], $0x1, s15, s8, $0xb8;
	[tilespmem:$0x6E80] =	vst v63  }
0x4a: {  	s21 =	sadd.s32 $0xD00, s18  }
.Ltmp0:
0x4b: {  	s22 =	sadd.s32 $0xFFFF9E40, s13;
	s13 =	sadd.s32 $0x30E00, s13;
	(pc) =	sbr.rel @p0 .LBB2_2-.Ltmp0, $4  }
0x4c: {  	[tilespmem:s21], [sflag:$0x1] =	stream.indirect.gather [hbm4b:s22+s8], $0x1, s15, s8, $0xb8;
	[tilespmem:$0x6E80] =	vst v63  }
0x4d: {  	s18 =	sadd.s32 $0xD80, s18;
	s23 =	sadd.s32 $0xFFFD22E0, s13;
	s21 =	sadd.s32 $0xFFFFCF20, s16  }
0x4e: {  	[tilespmem:s18], [sflag:$0x1] =	stream.indirect.gather [hbm4b:s21+s8], $0x1, s15, s8, $0xb8;
	[tilespmem:$0x6E80] =	vst v63  }
0x4f: {  	s22 =	sadd.s32 $0xFFFD53C0, s13;
	s15 =	sadd.s32 $0x80, s15;
	s21 =	smov.u32 s19  }
0x50: {  	[tilespmem:s17], [sflag:$0x1] =	stream.indirect.gather [hbm4b:s16+s8], $0x1, s20, s8, $0xb8;
	[tilespmem:$0x6E80] =	vst v63  }
0x51: {  	s30 =	sadd.s32 $0x680, s14  }
0x52: {  	[tilespmem:s30], [sflag:$0x1] =	stream.indirect.gather [hbm4b:s23+s8], $0x1, s15, s8, $0xb8;
	[tilespmem:$0x6E80] =	vst v63  }
0x53: {  	s31 =	sadd.s32 $0x700, s14  }
0x54: {  	[tilespmem:s31], [sflag:$0x1] =	stream.indirect.gather [hbm4b:s22+s8], $0x1, s15, s8, $0xb8;
	[tilespmem:$0x6E80] =	vst v63  }
0x55: {  	s17 =	sadd.s32 $0x780, s14;
	s18 =	sadd.s32 $0xFFFD84A0, s13  }
0x56: {  	[tilespmem:s17], [sflag:$0x1] =	stream.indirect.gather [hbm4b:s18+s8], $0x1, s15, s8, $0xb8;
	[tilespmem:$0x6E80] =	vst v63  }
0x57: {  	s19 =	sadd.s32 $0x800, s14;
	s20 =	sadd.s32 $0xFFFDB580, s13  }
0x58: {  	[tilespmem:s19], [sflag:$0x1] =	stream.indirect.gather [hbm4b:s20+s8], $0x1, s15, s8, $0xb8;
	[tilespmem:$0x6E80] =	vst v63  }
0x59: {  	s21 =	sadd.s32 $0x880, s14;
	s22 =	sadd.s32 $0xFFFDE660, s13  }
0x5a: {  	[tilespmem:s21], [sflag:$0x1] =	stream.indirect.gather [hbm4b:s22+s8], $0x1, s15, s8, $0xb8;
	[tilespmem:$0x6E80] =	vst v63  }
0x5b: {  	s24 =	sadd.s32 $0xFFFE1740, s13;
	s23 =	sadd.s32 $0x900, s14  }
0x5c: {  	[tilespmem:s23], [sflag:$0x1] =	stream.indirect.gather [hbm4b:s24+s8], $0x1, s15, s8, $0xb8;
	[tilespmem:$0x6E80] =	vst v63  }
0x5d: {  	s25 =	sadd.s32 $0x980, s14;
	s26 =	sadd.s32 $0xFFFE4820, s13  }
0x5e: {  	[tilespmem:s25], [sflag:$0x1] =	stream.indirect.gather [hbm4b:s26+s8], $0x1, s15, s8, $0xb8;
	[tilespmem:$0x6E80] =	vst v63  }
0x5f: {  	s28 =	sadd.s32 $0xA00, s14;
	s29 =	sadd.s32 $0xFFFE7900, s13  }
0x60: {  	[tilespmem:s28], [sflag:$0x1] =	stream.indirect.gather [hbm4b:s29+s8], $0x1, s15, s8, $0xb8;
	[tilespmem:$0x6E80] =	vst v63  }
0x61: {  	s30 =	sadd.s32 $0xA80, s14;
	s31 =	sadd.s32 $0xFFFEA9E0, s13  }
0x62: {  	[tilespmem:s30], [sflag:$0x1] =	stream.indirect.gather [hbm4b:s31+s8], $0x1, s15, s8, $0xb8;
	[tilespmem:$0x6E80] =	vst v63  }
0x63: {  	s18 =	sadd.s32 $0xB00, s14;
	s19 =	sadd.s32 $0xFFFEDAC0, s13  }
0x64: {  	[tilespmem:s18], [sflag:$0x1] =	stream.indirect.gather [hbm4b:s19+s8], $0x1, s15, s8, $0xb8;
	[tilespmem:$0x6E80] =	vst v63  }
0x65: {  	s20 =	sadd.s32 $0xB80, s14;
	s21 =	sadd.s32 $0xFFFF0BA0, s13  }
0x66: {  	[tilespmem:s20], [sflag:$0x1] =	stream.indirect.gather [hbm4b:s21+s8], $0x1, s15, s8, $0xb8;
	[tilespmem:$0x6E80] =	vst v63  }
0x67: {  	s22 =	sadd.s32 $0xC00, s14;
	s23 =	sadd.s32 $0xFFFF3C80, s13  }
0x68: {  	[tilespmem:s22], [sflag:$0x1] =	stream.indirect.gather [hbm4b:s23+s8], $0x1, s15, s8, $0xb8;
	[tilespmem:$0x6E80] =	vst v63  }
0x69: {  	s24 =	sadd.s32 $0xC80, s14;
	s25 =	sadd.s32 $0xFFFF6D60, s13  }
0x6a: {  	[tilespmem:s24], [sflag:$0x1] =	stream.indirect.gather [hbm4b:s25+s8], $0x1, s15, s8, $0xb8;
	[tilespmem:$0x6E80] =	vst v63  }
0x6b: {  	s26 =	sadd.s32 $0xD00, s14;
	s28 =	sadd.s32 $0xFFFF9E40, s13  }
0x6c: {  	[tilespmem:s26], [sflag:$0x1] =	stream.indirect.gather [hbm4b:s28+s8], $0x1, s15, s8, $0xb8;
	[tilespmem:$0x6E80] =	vst v63  }
0x6d: {  	s29 =	sadd.s32 $0xD80, s14;
	s30 =	sadd.s32 $0xFFFFCF20, s13  }
0x6e: {  	[tilespmem:s29], [sflag:$0x1] =	stream.indirect.gather [hbm4b:s30+s8], $0x1, s15, s8, $0xb8;
	[tilespmem:$0x6E80] =	vst v63  }
0x6f: {  	s31 =	sadd.s32 $0xE00, s14  }
0x70: {  	[tilespmem:s31], [sflag:$0x1] =	stream.indirect.gather [hbm4b:s13+s8], $0x1, s15, s8, $0xb8;
	[tilespmem:$0x6E80] =	vst v63  }
0x71: {  	_ =	swait.ge [sflag:s9], $0x80  }
0x72: {  	[sflag:s9] =	ssyncset.done $0x0  }
0x73: {  	[sflag:s9] =	ssyncadd.s32 $0xFFFFFF80  }
0x74: {  	_ =	swait.ge [sflag:s9], $0x80  }
0x75: {  	[sflag:s9] =	ssyncset.done $0x0  }
0x76: {  	[sflag:s9] =	ssyncadd.s32 $0xFFFFFF80  }
0x77: {  	_ =	swait.ge [sflag:s9], $0x80  }
0x78: {  	[sflag:s9] =	ssyncset.done $0x0  }
0x79: {  	[sflag:s9] =	ssyncadd.s32 $0xFFFFFF80  }
0x7a: {  	_ =	swait.ge [sflag:s9], $0x80  }
0x7b: {  	[sflag:s9] =	ssyncset.done $0x0  }
0x7c: {  	[sflag:s9] =	ssyncadd.s32 $0xFFFFFF80  }
0x7d: {  	_ =	swait.ge [sflag:s9], $0x80  }
0x7e: {  	[sflag:s9] =	ssyncset.done $0x0  }
0x7f: {  	[sflag:s9] =	ssyncadd.s32 $0xFFFFFF80  }
0x80: {  	_ =	swait.ge [sflag:s9], $0x80  }
0x81: {  	[sflag:s9] =	ssyncset.done $0x0  }
0x82: {  	[sflag:s9] =	ssyncadd.s32 $0xFFFFFF80  }
0x83: {  	_ =	swait.ge [sflag:s9], $0x80  }
0x84: {  	[sflag:s9] =	ssyncset.done $0x0  }
0x85: {  	[sflag:s9] =	ssyncadd.s32 $0xFFFFFF80  }
0x86: {  	_ =	swait.ge [sflag:s9], $0x80  }
0x87: {  	[sflag:s9] =	ssyncset.done $0x0  }
0x88: {  	[sflag:s9] =	ssyncadd.s32 $0xFFFFFF80  }
0x89: {  	_ =	swait.ge [sflag:s9], $0x80  }
0x8a: {  	[sflag:s9] =	ssyncset.done $0x0  }
0x8b: {  	[sflag:s9] =	ssyncadd.s32 $0xFFFFFF80  }
0x8c: {  	_ =	swait.ge [sflag:s9], $0x80  }
0x8d: {  	[sflag:s9] =	ssyncset.done $0x0  }
0x8e: {  	[sflag:s9] =	ssyncadd.s32 $0xFFFFFF80  }
0x8f: {  	_ =	swait.ge [sflag:s9], $0x80  }
0x90: {  	[sflag:s9] =	ssyncset.done $0x0  }
0x91: {  	[sflag:s9] =	ssyncadd.s32 $0xFFFFFF80  }
0x92: {  	_ =	swait.ge [sflag:s9], $0x80  }
0x93: {  	[sflag:s9] =	ssyncset.done $0x0  }
0x94: {  	[sflag:s9] =	ssyncadd.s32 $0xFFFFFF80  }
0x95: {  	_ =	swait.ge [sflag:s9], $0x80  }
0x96: {  	[sflag:s9] =	ssyncset.done $0x0  }
0x97: {  	[sflag:s9] =	ssyncadd.s32 $0xFFFFFF80  }
0x98: {  	_ =	swait.ge [sflag:s9], $0x80  }
0x99: {  	[sflag:s9] =	ssyncset.done $0x0  }
0x9a: {  	[sflag:s9] =	ssyncadd.s32 $0xFFFFFF80  }
0x9b: {  	_ =	swait.ge [sflag:s9], $0x80  }
0x9c: {  	[sflag:s9] =	ssyncset.done $0x0  }
0x9d: {  	[sflag:s9] =	ssyncadd.s32 $0xFFFFFF80  }
0x9e: {  	_ =	swait.ge [sflag:s9], $0x80  }
0x9f: {  	s13 =	simm.s32 $0xC;
	[sflag:s9] =	ssyncset.done $0x0  }
.LBB2_4:
0xa0: {  	p0 =	sne.s32 s13, $0x1;
	s13 =	sadd.s32 $0xFFFFFFFF, s13;
	[sflag:s9] =	ssyncadd.s32 $0xFFFFFF80  }
0xa1: {  	_ =	swait.ge [sflag:s9], $0x80  }
0xa2: {  	[sflag:s9] =	ssyncset.done $0x0  }
0xa3: {  	[sflag:s9] =	ssyncadd.s32 $0xFFFFFF80  }
0xa4: {  	_ =	swait.ge [sflag:s9], $0x80  }
0xa5: {  	[sflag:s9] =	ssyncset.done $0x0  }
0xa6: {  	[sflag:s9] =	ssyncadd.s32 $0xFFFFFF80  }
0xa7: {  	_ =	swait.ge [sflag:s9], $0x80  }
0xa8: {  	[sflag:s9] =	ssyncset.done $0x0  }
0xa9: {  	[sflag:s9] =	ssyncadd.s32 $0xFFFFFF80  }
0xaa: {  	_ =	swait.ge [sflag:s9], $0x80  }
0xab: {  	[sflag:s9] =	ssyncset.done $0x0  }
0xac: {  	[sflag:s9] =	ssyncadd.s32 $0xFFFFFF80  }
0xad: {  	_ =	swait.ge [sflag:s9], $0x80  }
0xae: {  	[sflag:s9] =	ssyncset.done $0x0  }
0xaf: {  	[sflag:s9] =	ssyncadd.s32 $0xFFFFFF80  }
0xb0: {  	_ =	swait.ge [sflag:s9], $0x80  }
0xb1: {  	[sflag:s9] =	ssyncset.done $0x0  }
0xb2: {  	[sflag:s9] =	ssyncadd.s32 $0xFFFFFF80  }
0xb3: {  	_ =	swait.ge [sflag:s9], $0x80  }
0xb4: {  	[sflag:s9] =	ssyncset.done $0x0  }
0xb5: {  	[sflag:s9] =	ssyncadd.s32 $0xFFFFFF80  }
0xb6: {  	_ =	swait.ge [sflag:s9], $0x80  }
0xb7: {  	[sflag:s9] =	ssyncset.done $0x0  }
0xb8: {  	[sflag:s9] =	ssyncadd.s32 $0xFFFFFF80  }
0xb9: {  	_ =	swait.ge [sflag:s9], $0x80  }
0xba: {  	[sflag:s9] =	ssyncset.done $0x0  }
0xbb: {  	[sflag:s9] =	ssyncadd.s32 $0xFFFFFF80  }
0xbc: {  	_ =	swait.ge [sflag:s9], $0x80  }
0xbd: {  	[sflag:s9] =	ssyncset.done $0x0  }
0xbe: {  	[sflag:s9] =	ssyncadd.s32 $0xFFFFFF80  }
0xbf: {  	_ =	swait.ge [sflag:s9], $0x80  }
0xc0: {  	[sflag:s9] =	ssyncset.done $0x0  }
0xc1: {  	[sflag:s9] =	ssyncadd.s32 $0xFFFFFF80  }
0xc2: {  	_ =	swait.ge [sflag:s9], $0x80  }
0xc3: {  	[sflag:s9] =	ssyncset.done $0x0  }
0xc4: {  	[sflag:s9] =	ssyncadd.s32 $0xFFFFFF80  }
0xc5: {  	_ =	swait.ge [sflag:s9], $0x80  }
0xc6: {  	[sflag:s9] =	ssyncset.done $0x0  }
0xc7: {  	[sflag:s9] =	ssyncadd.s32 $0xFFFFFF80  }
0xc8: {  	_ =	swait.ge [sflag:s9], $0x80  }
0xc9: {  	[sflag:s9] =	ssyncset.done $0x0  }
0xca: {  	[sflag:s9] =	ssyncadd.s32 $0xFFFFFF80  }
.Ltmp1:
0xcb: {  	_ =	swait.ge [sflag:s9], $0x80;
	(pc) =	sbr.rel @p0 .LBB2_4-.Ltmp1, $4  }
0xcc: {  	[sflag:s9] =	ssyncset.done $0x0  }
0xcd: {  	[sflag:s9] =	ssyncadd.s32 $0xFFFFFF80  }
0xce: {  	_ =	swait.ge [sflag:s9], $0x80  }
0xcf: {  	[sflag:s9] =	ssyncset.done $0x0  }
0xd0: {  	s12 =	sadd.s32 $0x1, s12  }
0xd1: {  	p0 =	sne.s32 s12, s5  }
.Ltmp2:
0xd2: {  	[sflag:s9] =	ssyncadd.s32 $0xFFFFFF80;
	(pc) =	sbr.rel @p0 .LBB2_1-.Ltmp2, $4  }
0xd3: {  	[hbm4b:s4+s8] =	stream.strided.scatter [tilespmem:s11], [sflag:$0x2], $0x6800, s10, s8, $0x38;
	[tilespmem:$0x6E80] =	vst v63  }
0xd4: {  	_ =	swait.ge [sflag:s7], $0x6800  }
0xd5: {  	[sflag:s7] =	ssyncset.done $0x0  }
0xd6: {  	[sflag:s7] =	ssyncadd.s32 $0xFFFF9800  }
0xd7: {  	_ =	sfence.sel $0x180000  }
0xd8: {  	[bflag:$0x0] =	sbarrier.arrive $0xFFFF  }
0xd9: {  	p0 =	sne.s32 s0, $0x0;
	_ =	strace $0x90000047  }
0xda: {  	s0 =	sadd.s32 @!p0 $0x100000, s1;
	[bflag:$0x2] =	sbarrier.arrive $0xFFFF  }
0xdb: {  	[sflag:s0] =	ssyncadd.tile.s32 @!p0 $0x1;
	_ =	shalt  }
.Lfunc_end2:
_tile_overlayer_lowered:
.L_overlay_start_2:
0xdc: {  	(tag) =	ssettag $0x2  }
0xdd: {  	s0 =	rddreg [dreg:$0x0];
	s2 =	stileid.u32  }
0xde: {  	s1 =	rddreg [dreg:$0x1];
	p0 =	sne.s32 s2, $0x0  }
0xdf: {  	s3 =	rddreg [dreg:$0x2];
	[bflag:$0x3] =	sbarrier.arrive $0xFFFF;
	s2 =	simm.s32 @!p0 $0x1C02  }
0xe0: {  	[timem:s3], [sflag:s2] =	dma.local @!p0 [hbm:s0], s1  }
0xe1: {  	s0 =	simm.s32 @!p0 $0x2  }
0xe2: {  	_ =	swait.ge @!p0 [sflag:s0], s1  }
0xe3: {  	s1 =	ssub.s32 @!p0 $0x0, s1;
	[sflag:s0] =	ssyncset.done @!p0 $0x0  }
0xe4: {  	[sflag:s0] =	ssyncadd.s32 @!p0 s1  }
0xe5: {  	[bflag:$0x3] =	sbarrier.arrive $0xFFFF  }
0xe6: {  	_ =	shalt  }

</sc_bundles>
